<compile_context>
chip_gen: v7x
topology: tpu7x:2x2x1
jax: 0.10.2.dev20260603
libtpu: 0.0.44.dev20260713+nightly
codegen_flags: <defaults>
</compile_context>

<pallas_src>
import math

import jax
import jax.numpy as jnp
from jax import lax
from jax.experimental import pallas as pl
from jax.experimental.pallas import tpu as pltpu
from jax.experimental.pallas import tpu_sc as plsc

D_MODEL = 512
SCALE = math.sqrt(512.0)

NC = 2
NS = 16
LANES = 16
NW = NC * NS

B_TOTAL = 4 * 8192
B_PER_W = B_TOTAL // NW
CHUNK_MAX = 64
NBUF = 3
DEPTH = 2
VECS_PER_ROW = D_MODEL // LANES

CHUNKS = [CHUNK_MAX] * 16
assert sum(CHUNKS) == B_PER_W
OFFSETS = [sum(CHUNKS[:i]) for i in range(len(CHUNKS))]
N_CHUNKS = len(CHUNKS)


def _body(table_hbm, idx_hbm, out_hbm, idx_v, rows_v, in_sems, out_sems):
    wid = lax.axis_index("s") * NC + lax.axis_index("c")
    base = wid * B_PER_W
    n_batch_w = 8192 // B_PER_W

    pltpu.sync_copy(
        idx_hbm.at[wid // n_batch_w, pl.ds((wid % n_batch_w) * B_PER_W, B_PER_W)],
        idx_v,
    )

    def gather_desc(c, buf):
        return pltpu.make_async_copy(
            table_hbm.at[idx_v.at[pl.ds(c * CHUNK_MAX, CHUNK_MAX)]],
            rows_v.at[buf],
            in_sems.at[buf],
        )

    def scatter_desc(c, buf):
        return pltpu.make_async_copy(
            rows_v.at[buf],
            out_hbm.at[pl.ds(base + c * CHUNK_MAX, CHUNK_MAX)],
            out_sems.at[buf],
        )

    def scale_buf(c, buf):
        def row_body(r, _):
            def vec_body(j, _):
                sl = pl.ds(j * LANES, LANES)
                rows_v[buf, r, sl] = rows_v[buf, r, sl] * SCALE
                return 0

            return lax.fori_loop(0, VECS_PER_ROW, vec_body, 0, unroll=8)

        lax.fori_loop(0, CHUNK_MAX, row_body, 0)

    for c in range(DEPTH):
        gather_desc(c, c % NBUF).start()

    def chunk_body(c, _):
        buf = lax.rem(c, NBUF)
        nxt = lax.rem(c + DEPTH, NBUF)

        @pl.when(jnp.logical_and(c >= 1, c + DEPTH < N_CHUNKS))
        def _():
            scatter_desc(c - 1, nxt).wait()

        @pl.when(c + DEPTH < N_CHUNKS)
        def _():
            gather_desc(c + DEPTH, nxt).start()

        gather_desc(c, buf).wait()
        scale_buf(c, buf)
        scatter_desc(c, buf).start()
        return 0

    lax.fori_loop(0, N_CHUNKS, chunk_body, 0)
    for c in range(max(N_CHUNKS - NBUF, 0), N_CHUNKS):
        scatter_desc(c, c % NBUF).wait()


@jax.jit
def _embed(table, indices):
    mesh = plsc.VectorSubcoreMesh(core_axis_name="c", subcore_axis_name="s")
    fn = pl.kernel(
        _body,
        out_type=jax.ShapeDtypeStruct((B_TOTAL, D_MODEL), jnp.float32),
        mesh=mesh,
        scratch_types=[
            pltpu.VMEM((B_PER_W,), jnp.int32),
            pltpu.VMEM((NBUF, CHUNK_MAX, D_MODEL), jnp.float32),
            pltpu.SemaphoreType.DMA((NBUF,)),
            pltpu.SemaphoreType.DMA((NBUF,)),
        ],
    )
    return fn(table, indices)


def kernel(indices, table):
    out = _embed(table, indices)
    return out.reshape(indices.shape + (D_MODEL,))

# --- scband reference (transcript-rebuilt; emitter-appended) ---
"""Pipeline reference for scband-input-embedding-54485955117570 (READ-ONLY COPY).

The authoritative reference and input builder live on the scoring server;
editing this copy changes nothing except your own understanding.
"""

import jax, jax.numpy as jnp
import numpy as np

D_MODEL = 512
VOCAB = 100000

def setup_inputs(seed: int = 0) -> dict:
    key = jax.random.key(seed)
    k1, k2 = jax.random.split(key)
    indices = jax.random.randint(k1, (4, 8192), 0, VOCAB, dtype=jnp.int64 if jax.config.jax_enable_x64 else jnp.int32)
    table = jax.random.normal(k2, (VOCAB, D_MODEL), dtype=jnp.float32) * 0.02
    return {"indices": indices, "table": table}

def reference(indices, table):
    # inputEmbedding.forward: embedding lookup scaled by sqrt(d_model)
    # (standard transformer input embedding; module's hardcoded Embedding(10,512)
    #  is treated as a bug, intended Embedding(vocab, d_model))
    emb = jnp.take(table, indices, axis=0)
    return emb * jnp.sqrt(jnp.float32(D_MODEL))

if __name__ == "__main__":
    import jax
    _d = setup_inputs()
    print(jax.jit(kernel)(*tuple(_d.values())))

</pallas_src>

<mosaic_0001>
#map = affine_map<(d0, d1) -> (0, 0)>
module attributes {stable_mosaic.version = 14 : i64} {
  func.func @_body(%arg0: i32, %arg1: i32, %arg2: memref<100000x512xf32, #tpu.memory_space<hbm>>, %arg3: memref<4x8192xi32, #tpu.memory_space<hbm>>, %arg4: memref<32768x512xf32, #tpu.memory_space<hbm>>, %arg5: memref<1024xi32, #tpu.memory_space<vmem>>, %arg6: memref<3x64x512xf32, #tpu.memory_space<vmem>>, %arg7: memref<3x!tpu.dma_semaphore, #tpu.memory_space<semaphore_mem>>, %arg8: memref<3x!tpu.dma_semaphore, #tpu.memory_space<semaphore_mem>>) attributes {dimension_semantics = [#tpu.dimension_semantics<core_parallel>, #tpu.dimension_semantics<subcore_parallel>], iteration_bounds = array<i64: 2, 16>, scalar_prefetch = 0 : i64, scratch_operands = 4 : i64, tpu.core_type = #tpu.core_type<sc_vector_subcore>, window_params = [{transform_indices = #map}, {transform_indices = #map}, {transform_indices = #map}]} {
    %mul3A = arith.constant 2 : i32
    %mul3A_0 = arith.muli %arg1, %mul3A : i32
    %add3A = arith.addi %mul3A_0, %arg0 : i32
    %mul3A_1 = arith.constant 1024 : i32
    %mul3A_2 = arith.muli %add3A, %mul3A_1 : i32
    %jit3A = arith.constant 8 : i32
    %div3A = arith.divsi %add3A, %jit3A : i32
    %sign3A = arith.constant 0 : i32
    %sign3A_3 = arith.cmpi sgt, %add3A, %sign3A : i32
    %sign3A_4 = arith.extui %sign3A_3 : i1 to i32
    %sign3A_5 = arith.constant 0 : i32
    %sign3A_6 = arith.cmpi slt, %add3A, %sign3A_5 : i32
    %sign3A_7 = arith.extui %sign3A_6 : i1 to i32
    %sign3A_8 = arith.subi %sign3A_4, %sign3A_7 : i32
    %sign3A_9 = arith.constant 0 : i32
    %sign3A_10 = arith.cmpi sgt, %jit3A, %sign3A_9 : i32
    %sign3A_11 = arith.extui %sign3A_10 : i1 to i32
    %sign3A_12 = arith.constant 0 : i32
    %sign3A_13 = arith.cmpi slt, %jit3A, %sign3A_12 : i32
    %sign3A_14 = arith.extui %sign3A_13 : i1 to i32
    %sign3A_15 = arith.subi %sign3A_11, %sign3A_14 : i32
    %ne3A = arith.cmpi ne, %sign3A_8, %sign3A_15 : i32
    %rem3A = arith.remsi %add3A, %jit3A : i32
    %ne3A_16 = arith.constant 0 : i32
    %ne3A_17 = arith.cmpi ne, %rem3A, %ne3A_16 : i32
    %and3A = arith.andi %ne3A, %ne3A_17 : i1
    %sub3A = arith.constant 1 : i32
    %sub3A_18 = arith.subi %div3A, %sub3A : i32
    %select_n3A = arith.select %and3A, %sub3A_18, %div3A : i32
    %jit3A_19 = arith.constant 8 : i32
    %eq3A = arith.constant 0 : i32
    %eq3A_20 = arith.cmpi eq, %jit3A_19, %eq3A : i32
    %jit3A_21 = arith.constant 1 : i32
    %select_n3A_22 = arith.select %eq3A_20, %jit3A_21, %jit3A_19 : i32
    %rem3A_23 = arith.remsi %add3A, %select_n3A_22 : i32
    %ne3A_24 = arith.constant 0 : i32
    %ne3A_25 = arith.cmpi ne, %rem3A_23, %ne3A_24 : i32
    %lt3A = arith.constant 0 : i32
    %lt3A_26 = arith.cmpi slt, %rem3A_23, %lt3A : i32
    %lt3A_27 = arith.constant 0 : i32
    %lt3A_28 = arith.cmpi slt, %select_n3A_22, %lt3A_27 : i32
    %ne3A_29 = arith.xori %lt3A_26, %lt3A_28 : i1
    %and3A_30 = arith.andi %ne3A_29, %ne3A_25 : i1
    %add3A_31 = arith.addi %rem3A_23, %select_n3A_22 : i32
    %select_n3A_32 = arith.select %and3A_30, %add3A_31, %rem3A_23 : i32
    %mul3A_33 = arith.constant 1024 : i32
    %mul3A_34 = arith.muli %select_n3A_32, %mul3A_33 : i32
    "tpu.region"() ({
      %run_scoped3A = tpu.sem_alloc : memref<!tpu.dma_semaphore, #tpu.memory_space<semaphore_mem>>
      %dma_start3A_119 = tpu.memref_slice %arg3[%select_n3A, %mul3A_34] : memref<4x8192xi32, #tpu.memory_space<hbm>> -> memref<1x1024xi32, #tpu.memory_space<hbm>>
      %dma_start3A_120 = tpu.memref_squeeze %dma_start3A_119 : memref<1x1024xi32, #tpu.memory_space<hbm>> -> memref<1024xi32, #tpu.memory_space<hbm>>
      %dma_start3A_121 = tpu.memref_slice %arg3[%select_n3A, %mul3A_34] : memref<4x8192xi32, #tpu.memory_space<hbm>> -> memref<1x1024xi32, #tpu.memory_space<hbm>>
      %dma_start3A_122 = tpu.memref_squeeze %dma_start3A_121 : memref<1x1024xi32, #tpu.memory_space<hbm>> -> memref<1024xi32, #tpu.memory_space<hbm>>
      tpu.enqueue_dma source(%dma_start3A_122 : memref<1024xi32, #tpu.memory_space<hbm>>) target(%arg5 : memref<1024xi32, #tpu.memory_space<vmem>>) target_semaphore(%run_scoped3A : memref<!tpu.dma_semaphore, #tpu.memory_space<semaphore_mem>>)
      %dma_wait3A_123 = tpu.memref_slice %arg3[%select_n3A, %mul3A_34] : memref<4x8192xi32, #tpu.memory_space<hbm>> -> memref<1x1024xi32, #tpu.memory_space<hbm>>
      %dma_wait3A_124 = tpu.memref_squeeze %dma_wait3A_123 : memref<1x1024xi32, #tpu.memory_space<hbm>> -> memref<1024xi32, #tpu.memory_space<hbm>>
      %dma_wait3A_125 = tpu.memref_slice %arg3[%select_n3A, %mul3A_34] : memref<4x8192xi32, #tpu.memory_space<hbm>> -> memref<1x1024xi32, #tpu.memory_space<hbm>>
      %dma_wait3A_126 = tpu.memref_squeeze %dma_wait3A_125 : memref<1x1024xi32, #tpu.memory_space<hbm>> -> memref<1024xi32, #tpu.memory_space<hbm>>
      tpu.wait_dma2 semaphore(%run_scoped3A : memref<!tpu.dma_semaphore, #tpu.memory_space<semaphore_mem>>) src(%dma_wait3A_126 : memref<1024xi32, #tpu.memory_space<hbm>>) dst(%arg5 : memref<1024xi32, #tpu.memory_space<vmem>>)
      tpu.yield
    }) : () -> ()
    %dma_start3A = arith.constant 0 : i32
    %dma_start3A_35 = arith.constant 0 : i32
    %dma_start3A_36 = arith.constant 0 : i32
    %dma_start3A_37 = arith.constant 0 : i32
    %dma_start3A_38 = tpu.memref_slice %arg6[%dma_start3A, %dma_start3A_36, %dma_start3A_37] : memref<3x64x512xf32, #tpu.memory_space<vmem>> -> memref<1x64x512xf32, #tpu.memory_space<vmem>>
    %dma_start3A_39 = tpu.memref_squeeze %dma_start3A_38 : memref<1x64x512xf32, #tpu.memory_space<vmem>> -> memref<64x512xf32, #tpu.memory_space<vmem>>
    %dma_start3A_40 = arith.constant 0 : i32
    %dma_start3A_41 = tpu.memref_slice %arg5[%dma_start3A_40] : memref<1024xi32, #tpu.memory_space<vmem>> -> memref<64xi32, #tpu.memory_space<vmem>>
    %dma_start3A_42 = arith.constant 0 : i32
    %dma_start3A_43 = arith.constant 0 : i32
    %dma_start3A_44 = tpu.memref_slice %arg2[%dma_start3A_42, %dma_start3A_43] : memref<100000x512xf32, #tpu.memory_space<hbm>> -> memref<100000x512xf32, #tpu.memory_space<hbm>>
    %dma_start3A_45 = tpu.memref_slice %arg7[%dma_start3A_35] : memref<3x!tpu.dma_semaphore, #tpu.memory_space<semaphore_mem>> -> memref<1x!tpu.dma_semaphore, #tpu.memory_space<semaphore_mem>>
    %dma_start3A_46 = tpu.memref_squeeze %dma_start3A_45 : memref<1x!tpu.dma_semaphore, #tpu.memory_space<semaphore_mem>> -> memref<!tpu.dma_semaphore, #tpu.memory_space<semaphore_mem>>
    tpu.enqueue_indirect_dma source(%dma_start3A_44 : memref<100000x512xf32, #tpu.memory_space<hbm>>) target(%dma_start3A_39 : memref<64x512xf32, #tpu.memory_space<vmem>>) offsets(%dma_start3A_41 : memref<64xi32, #tpu.memory_space<vmem>>) semaphore(%dma_start3A_46 : memref<!tpu.dma_semaphore, #tpu.memory_space<semaphore_mem>>)
    %dma_start3A_47 = arith.constant 1 : i32
    %dma_start3A_48 = arith.constant 1 : i32
    %dma_start3A_49 = arith.constant 0 : i32
    %dma_start3A_50 = arith.constant 0 : i32
    %dma_start3A_51 = tpu.memref_slice %arg6[%dma_start3A_47, %dma_start3A_49, %dma_start3A_50] : memref<3x64x512xf32, #tpu.memory_space<vmem>> -> memref<1x64x512xf32, #tpu.memory_space<vmem>>
    %dma_start3A_52 = tpu.memref_squeeze %dma_start3A_51 : memref<1x64x512xf32, #tpu.memory_space<vmem>> -> memref<64x512xf32, #tpu.memory_space<vmem>>
    %dma_start3A_53 = arith.constant 64 : i32
    %dma_start3A_54 = tpu.memref_slice %arg5[%dma_start3A_53] : memref<1024xi32, #tpu.memory_space<vmem>> -> memref<64xi32, #tpu.memory_space<vmem>>
    %dma_start3A_55 = arith.constant 0 : i32
    %dma_start3A_56 = arith.constant 0 : i32
    %dma_start3A_57 = tpu.memref_slice %arg2[%dma_start3A_55, %dma_start3A_56] : memref<100000x512xf32, #tpu.memory_space<hbm>> -> memref<100000x512xf32, #tpu.memory_space<hbm>>
    %dma_start3A_58 = tpu.memref_slice %arg7[%dma_start3A_48] : memref<3x!tpu.dma_semaphore, #tpu.memory_space<semaphore_mem>> -> memref<1x!tpu.dma_semaphore, #tpu.memory_space<semaphore_mem>>
    %dma_start3A_59 = tpu.memref_squeeze %dma_start3A_58 : memref<1x!tpu.dma_semaphore, #tpu.memory_space<semaphore_mem>> -> memref<!tpu.dma_semaphore, #tpu.memory_space<semaphore_mem>>
    tpu.enqueue_indirect_dma source(%dma_start3A_57 : memref<100000x512xf32, #tpu.memory_space<hbm>>) target(%dma_start3A_52 : memref<64x512xf32, #tpu.memory_space<vmem>>) offsets(%dma_start3A_54 : memref<64xi32, #tpu.memory_space<vmem>>) semaphore(%dma_start3A_59 : memref<!tpu.dma_semaphore, #tpu.memory_space<semaphore_mem>>)
    %scan3A = arith.constant 0 : i32
    %scan3A_60 = arith.constant 0 : i32
    %scan3A_61 = arith.constant 16 : i32
    %scan3A_62 = arith.addi %scan3A_60, %scan3A_61 : i32
    %scan3A_63 = arith.constant 1 : i32
    %scan3A_64 = scf.for %scan3A_119 = %scan3A_60 to %scan3A_62 step %scan3A_63 iter_args(%scan3A_120 = %scan3A) -> (i32)  : i32 {
      %rem3A_121 = arith.constant 3 : i32
      %rem3A_122 = arith.remsi %scan3A_119, %rem3A_121 : i32
      %add3A_123 = arith.constant 2 : i32
      %add3A_124 = arith.addi %scan3A_119, %add3A_123 : i32
      %rem3A_125 = arith.constant 3 : i32
      %rem3A_126 = arith.remsi %add3A_124, %rem3A_125 : i32
      %ge3A = arith.constant 1 : i32
      %ge3A_127 = arith.cmpi sge, %scan3A_119, %ge3A : i32
      %add3A_128 = arith.constant 2 : i32
      %add3A_129 = arith.addi %scan3A_119, %add3A_128 : i32
      %lt3A_130 = arith.constant 16 : i32
      %lt3A_131 = arith.cmpi slt, %add3A_129, %lt3A_130 : i32
      %and3A_132 = arith.andi %ge3A_127, %lt3A_131 : i1
      %convert_element_type3A = arith.extui %and3A_132 : i1 to i32
      %cond3A = arith.constant 0 : i32
      %cond3A_133 = arith.cmpi ne, %convert_element_type3A, %cond3A : i32
      scf.if %cond3A_133 {
        %sub3A_178 = arith.constant 1 : i32
        %sub3A_179 = arith.subi %scan3A_119, %sub3A_178 : i32
        %mul3A_180 = arith.constant 64 : i32
        %mul3A_181 = arith.muli %sub3A_179, %mul3A_180 : i32
        %add3A_182 = arith.addi %mul3A_2, %mul3A_181 : i32
        %dma_wait3A_183 = arith.constant 0 : i32
        %dma_wait3A_184 = arith.constant 0 : i32
        %dma_wait3A_185 = tpu.memref_slice %arg6[%rem3A_126, %dma_wait3A_183, %dma_wait3A_184] : memref<3x64x512xf32, #tpu.memory_space<vmem>> -> memref<1x64x512xf32, #tpu.memory_space<vmem>>
        %dma_wait3A_186 = tpu.memref_squeeze %dma_wait3A_185 : memref<1x64x512xf32, #tpu.memory_space<vmem>> -> memref<64x512xf32, #tpu.memory_space<vmem>>
        %dma_wait3A_187 = arith.constant 0 : i32
        %dma_wait3A_188 = tpu.memref_slice %arg4[%add3A_182, %dma_wait3A_187] : memref<32768x512xf32, #tpu.memory_space<hbm>> -> memref<64x512xf32, #tpu.memory_space<hbm>>
        %dma_wait3A_189 = tpu.memref_slice %arg8[%rem3A_126] : memref<3x!tpu.dma_semaphore, #tpu.memory_space<semaphore_mem>> -> memref<1x!tpu.dma_semaphore, #tpu.memory_space<semaphore_mem>>
        %dma_wait3A_190 = tpu.memref_squeeze %dma_wait3A_189 : memref<1x!tpu.dma_semaphore, #tpu.memory_space<semaphore_mem>> -> memref<!tpu.dma_semaphore, #tpu.memory_space<semaphore_mem>>
        %dma_wait3A_191 = arith.constant 0 : i32
        %dma_wait3A_192 = tpu.memref_slice %arg4[%add3A_182, %dma_wait3A_191] : memref<32768x512xf32, #tpu.memory_space<hbm>> -> memref<64x512xf32, #tpu.memory_space<hbm>>
        %dma_wait3A_193 = arith.constant 0 : i32
        %dma_wait3A_194 = arith.constant 0 : i32
        %dma_wait3A_195 = tpu.memref_slice %arg6[%rem3A_126, %dma_wait3A_193, %dma_wait3A_194] : memref<3x64x512xf32, #tpu.memory_space<vmem>> -> memref<1x64x512xf32, #tpu.memory_space<vmem>>
        %dma_wait3A_196 = tpu.memref_squeeze %dma_wait3A_195 : memref<1x64x512xf32, #tpu.memory_space<vmem>> -> memref<64x512xf32, #tpu.memory_space<vmem>>
        tpu.wait_dma2 semaphore(%dma_wait3A_190 : memref<!tpu.dma_semaphore, #tpu.memory_space<semaphore_mem>>) src(%dma_wait3A_196 : memref<64x512xf32, #tpu.memory_space<vmem>>) dst(%dma_wait3A_192 : memref<64x512xf32, #tpu.memory_space<hbm>>)
      } else {
      }
      %add3A_134 = arith.constant 2 : i32
      %add3A_135 = arith.addi %scan3A_119, %add3A_134 : i32
      %lt3A_136 = arith.constant 16 : i32
      %lt3A_137 = arith.cmpi slt, %add3A_135, %lt3A_136 : i32
      %convert_element_type3A_138 = arith.extui %lt3A_137 : i1 to i32
      %cond3A_139 = arith.constant 0 : i32
      %cond3A_140 = arith.cmpi ne, %convert_element_type3A_138, %cond3A_139 : i32
      scf.if %cond3A_140 {
        %add3A_178 = arith.constant 2 : i32
        %add3A_179 = arith.addi %scan3A_119, %add3A_178 : i32
        %mul3A_180 = arith.constant 64 : i32
        %mul3A_181 = arith.muli %add3A_179, %mul3A_180 : i32
        %dma_start3A_182 = arith.constant 0 : i32
        %dma_start3A_183 = arith.constant 0 : i32
        %dma_start3A_184 = tpu.memref_slice %arg6[%rem3A_126, %dma_start3A_182, %dma_start3A_183] : memref<3x64x512xf32, #tpu.memory_space<vmem>> -> memref<1x64x512xf32, #tpu.memory_space<vmem>>
        %dma_start3A_185 = tpu.memref_squeeze %dma_start3A_184 : memref<1x64x512xf32, #tpu.memory_space<vmem>> -> memref<64x512xf32, #tpu.memory_space<vmem>>
        %dma_start3A_186 = tpu.memref_slice %arg5[%mul3A_181] : memref<1024xi32, #tpu.memory_space<vmem>> -> memref<64xi32, #tpu.memory_space<vmem>>
        %dma_start3A_187 = arith.constant 0 : i32
        %dma_start3A_188 = arith.constant 0 : i32
        %dma_start3A_189 = tpu.memref_slice %arg2[%dma_start3A_187, %dma_start3A_188] : memref<100000x512xf32, #tpu.memory_space<hbm>> -> memref<100000x512xf32, #tpu.memory_space<hbm>>
        %dma_start3A_190 = tpu.memref_slice %arg7[%rem3A_126] : memref<3x!tpu.dma_semaphore, #tpu.memory_space<semaphore_mem>> -> memref<1x!tpu.dma_semaphore, #tpu.memory_space<semaphore_mem>>
        %dma_start3A_191 = tpu.memref_squeeze %dma_start3A_190 : memref<1x!tpu.dma_semaphore, #tpu.memory_space<semaphore_mem>> -> memref<!tpu.dma_semaphore, #tpu.memory_space<semaphore_mem>>
        tpu.enqueue_indirect_dma source(%dma_start3A_189 : memref<100000x512xf32, #tpu.memory_space<hbm>>) target(%dma_start3A_185 : memref<64x512xf32, #tpu.memory_space<vmem>>) offsets(%dma_start3A_186 : memref<64xi32, #tpu.memory_space<vmem>>) semaphore(%dma_start3A_191 : memref<!tpu.dma_semaphore, #tpu.memory_space<semaphore_mem>>)
      } else {
      }
      %mul3A_141 = arith.constant 64 : i32
      %mul3A_142 = arith.muli %scan3A_119, %mul3A_141 : i32
      %dma_wait3A_143 = arith.constant 0 : i32
      %dma_wait3A_144 = arith.constant 0 : i32
      %dma_wait3A_145 = tpu.memref_slice %arg6[%rem3A_122, %dma_wait3A_143, %dma_wait3A_144] : memref<3x64x512xf32, #tpu.memory_space<vmem>> -> memref<1x64x512xf32, #tpu.memory_space<vmem>>
      %dma_wait3A_146 = tpu.memref_squeeze %dma_wait3A_145 : memref<1x64x512xf32, #tpu.memory_space<vmem>> -> memref<64x512xf32, #tpu.memory_space<vmem>>
      %dma_wait3A_147 = tpu.memref_slice %arg5[%mul3A_142] : memref<1024xi32, #tpu.memory_space<vmem>> -> memref<64xi32, #tpu.memory_space<vmem>>
      %dma_wait3A_148 = arith.constant 0 : i32
      %dma_wait3A_149 = arith.constant 0 : i32
      %dma_wait3A_150 = tpu.memref_slice %arg2[%dma_wait3A_148, %dma_wait3A_149] : memref<100000x512xf32, #tpu.memory_space<hbm>> -> memref<100000x512xf32, #tpu.memory_space<hbm>>
      %dma_wait3A_151 = tpu.memref_slice %arg7[%rem3A_122] : memref<3x!tpu.dma_semaphore, #tpu.memory_space<semaphore_mem>> -> memref<1x!tpu.dma_semaphore, #tpu.memory_space<semaphore_mem>>
      %dma_wait3A_152 = tpu.memref_squeeze %dma_wait3A_151 : memref<1x!tpu.dma_semaphore, #tpu.memory_space<semaphore_mem>> -> memref<!tpu.dma_semaphore, #tpu.memory_space<semaphore_mem>>
      tpu.wait_indirect_dma semaphore(%dma_wait3A_152 : memref<!tpu.dma_semaphore, #tpu.memory_space<semaphore_mem>>) src(%dma_wait3A_150 : memref<100000x512xf32, #tpu.memory_space<hbm>>) dst(%dma_wait3A_146 : memref<64x512xf32, #tpu.memory_space<vmem>>)
      %scan3A_153 = arith.constant 0 : i32
      %scan3A_154 = arith.constant 0 : i32
      %scan3A_155 = arith.constant 64 : i32
      %scan3A_156 = arith.addi %scan3A_154, %scan3A_155 : i32
      %scan3A_157 = arith.constant 1 : i32
      %scan3A_158 = scf.for %scan3A_178 = %scan3A_154 to %scan3A_156 step %scan3A_157 iter_args(%scan3A_179 = %scan3A_153) -> (i32)  : i32 {
        %scan3A_180 = arith.constant 0 : i32
        %scan3A_181 = arith.constant 0 : i32
        %scan3A_182 = arith.constant 32 : i32
        %scan3A_183 = arith.addi %scan3A_181, %scan3A_182 : i32
        %scan3A_184 = arith.constant 8 : i32
        %scan3A_185 = scf.for %scan3A_187 = %scan3A_181 to %scan3A_183 step %scan3A_184 iter_args(%scan3A_188 = %scan3A_180) -> (i32)  : i32 {
          %mul3A_189 = arith.constant 16 : i32
          %mul3A_190 = arith.muli %scan3A_187, %mul3A_189 : i32
          %get3A = arith.index_cast %rem3A_122 : i32 to index
          %get3A_191 = arith.index_cast %scan3A_178 : i32 to index
          %get3A_192 = arith.index_cast %mul3A_190 : i32 to index
          %get3A_193 = tpu.vector_load %arg6[%get3A, %get3A_191, %get3A_192] {strides = array<i32>} : memref<3x64x512xf32, #tpu.memory_space<vmem>>, vector<1x1x16xf32>,
          %get3A_194 = vector.shape_cast %get3A_193 : vector<1x1x16xf32> to vector<16xf32>
          %mul3A_195 = arith.constant 22.6274166 : f32
          %mul3A_196 = vector.broadcast %mul3A_195 : f32 to vector<16xf32>
          %mul3A_197 = arith.mulf %get3A_194, %mul3A_196 : vector<16xf32>
          %swap3A = arith.index_cast %rem3A_122 : i32 to index
          %swap3A_198 = arith.index_cast %scan3A_178 : i32 to index
          %swap3A_199 = arith.index_cast %mul3A_190 : i32 to index
          %swap3A_200 = tpu.vector_load %arg6[%swap3A, %swap3A_198, %swap3A_199] {strides = array<i32>} : memref<3x64x512xf32, #tpu.memory_space<vmem>>, vector<1x1x16xf32>,
          %swap3A_201 = vector.shape_cast %swap3A_200 : vector<1x1x16xf32> to vector<16xf32>
          %swap3A_202 = vector.shape_cast %mul3A_197 : vector<16xf32> to vector<1x1x16xf32>
          tpu.vector_store %arg6[%swap3A, %swap3A_198, %swap3A_199], %swap3A_202 {strides = array<i32>} : memref<3x64x512xf32, #tpu.memory_space<vmem>>, vector<1x1x16xf32>,
          %scan3A_203 = arith.constant 0 : i32
          %scan3A_204 = arith.constant 1 : i32
          %scan3A_205 = arith.addi %scan3A_187, %scan3A_204 : i32
          %mul3A_206 = arith.constant 16 : i32
          %mul3A_207 = arith.muli %scan3A_205, %mul3A_206 : i32
          %get3A_208 = arith.index_cast %rem3A_122 : i32 to index
          %get3A_209 = arith.index_cast %scan3A_178 : i32 to index
          %get3A_210 = arith.index_cast %mul3A_207 : i32 to index
          %get3A_211 = tpu.vector_load %arg6[%get3A_208, %get3A_209, %get3A_210] {strides = array<i32>} : memref<3x64x512xf32, #tpu.memory_space<vmem>>, vector<1x1x16xf32>,
          %get3A_212 = vector.shape_cast %get3A_211 : vector<1x1x16xf32> to vector<16xf32>
          %mul3A_213 = arith.constant 22.6274166 : f32
          %mul3A_214 = vector.broadcast %mul3A_213 : f32 to vector<16xf32>
          %mul3A_215 = arith.mulf %get3A_212, %mul3A_214 : vector<16xf32>
          %swap3A_216 = arith.index_cast %rem3A_122 : i32 to index
          %swap3A_217 = arith.index_cast %scan3A_178 : i32 to index
          %swap3A_218 = arith.index_cast %mul3A_207 : i32 to index
          %swap3A_219 = tpu.vector_load %arg6[%swap3A_216, %swap3A_217, %swap3A_218] {strides = array<i32>} : memref<3x64x512xf32, #tpu.memory_space<vmem>>, vector<1x1x16xf32>,
          %swap3A_220 = vector.shape_cast %swap3A_219 : vector<1x1x16xf32> to vector<16xf32>
          %swap3A_221 = vector.shape_cast %mul3A_215 : vector<16xf32> to vector<1x1x16xf32>
          tpu.vector_store %arg6[%swap3A_216, %swap3A_217, %swap3A_218], %swap3A_221 {strides = array<i32>} : memref<3x64x512xf32, #tpu.memory_space<vmem>>, vector<1x1x16xf32>,
          %scan3A_222 = arith.constant 0 : i32
          %scan3A_223 = arith.constant 2 : i32
          %scan3A_224 = arith.addi %scan3A_187, %scan3A_223 : i32
          %mul3A_225 = arith.constant 16 : i32
          %mul3A_226 = arith.muli %scan3A_224, %mul3A_225 : i32
          %get3A_227 = arith.index_cast %rem3A_122 : i32 to index
          %get3A_228 = arith.index_cast %scan3A_178 : i32 to index
          %get3A_229 = arith.index_cast %mul3A_226 : i32 to index
          %get3A_230 = tpu.vector_load %arg6[%get3A_227, %get3A_228, %get3A_229] {strides = array<i32>} : memref<3x64x512xf32, #tpu.memory_space<vmem>>, vector<1x1x16xf32>,
          %get3A_231 = vector.shape_cast %get3A_230 : vector<1x1x16xf32> to vector<16xf32>
          %mul3A_232 = arith.constant 22.6274166 : f32
          %mul3A_233 = vector.broadcast %mul3A_232 : f32 to vector<16xf32>
          %mul3A_234 = arith.mulf %get3A_231, %mul3A_233 : vector<16xf32>
          %swap3A_235 = arith.index_cast %rem3A_122 : i32 to index
          %swap3A_236 = arith.index_cast %scan3A_178 : i32 to index
          %swap3A_237 = arith.index_cast %mul3A_226 : i32 to index
          %swap3A_238 = tpu.vector_load %arg6[%swap3A_235, %swap3A_236, %swap3A_237] {strides = array<i32>} : memref<3x64x512xf32, #tpu.memory_space<vmem>>, vector<1x1x16xf32>,
          %swap3A_239 = vector.shape_cast %swap3A_238 : vector<1x1x16xf32> to vector<16xf32>
          %swap3A_240 = vector.shape_cast %mul3A_234 : vector<16xf32> to vector<1x1x16xf32>
          tpu.vector_store %arg6[%swap3A_235, %swap3A_236, %swap3A_237], %swap3A_240 {strides = array<i32>} : memref<3x64x512xf32, #tpu.memory_space<vmem>>, vector<1x1x16xf32>,
          %scan3A_241 = arith.constant 0 : i32
          %scan3A_242 = arith.constant 3 : i32
          %scan3A_243 = arith.addi %scan3A_187, %scan3A_242 : i32
          %mul3A_244 = arith.constant 16 : i32
          %mul3A_245 = arith.muli %scan3A_243, %mul3A_244 : i32
          %get3A_246 = arith.index_cast %rem3A_122 : i32 to index
          %get3A_247 = arith.index_cast %scan3A_178 : i32 to index
          %get3A_248 = arith.index_cast %mul3A_245 : i32 to index
          %get3A_249 = tpu.vector_load %arg6[%get3A_246, %get3A_247, %get3A_248] {strides = array<i32>} : memref<3x64x512xf32, #tpu.memory_space<vmem>>, vector<1x1x16xf32>,
          %get3A_250 = vector.shape_cast %get3A_249 : vector<1x1x16xf32> to vector<16xf32>
          %mul3A_251 = arith.constant 22.6274166 : f32
          %mul3A_252 = vector.broadcast %mul3A_251 : f32 to vector<16xf32>
          %mul3A_253 = arith.mulf %get3A_250, %mul3A_252 : vector<16xf32>
          %swap3A_254 = arith.index_cast %rem3A_122 : i32 to index
          %swap3A_255 = arith.index_cast %scan3A_178 : i32 to index
          %swap3A_256 = arith.index_cast %mul3A_245 : i32 to index
          %swap3A_257 = tpu.vector_load %arg6[%swap3A_254, %swap3A_255, %swap3A_256] {strides = array<i32>} : memref<3x64x512xf32, #tpu.memory_space<vmem>>, vector<1x1x16xf32>,
          %swap3A_258 = vector.shape_cast %swap3A_257 : vector<1x1x16xf32> to vector<16xf32>
          %swap3A_259 = vector.shape_cast %mul3A_253 : vector<16xf32> to vector<1x1x16xf32>
          tpu.vector_store %arg6[%swap3A_254, %swap3A_255, %swap3A_256], %swap3A_259 {strides = array<i32>} : memref<3x64x512xf32, #tpu.memory_space<vmem>>, vector<1x1x16xf32>,
          %scan3A_260 = arith.constant 0 : i32
          %scan3A_261 = arith.constant 4 : i32
          %scan3A_262 = arith.addi %scan3A_187, %scan3A_261 : i32
          %mul3A_263 = arith.constant 16 : i32
          %mul3A_264 = arith.muli %scan3A_262, %mul3A_263 : i32
          %get3A_265 = arith.index_cast %rem3A_122 : i32 to index
          %get3A_266 = arith.index_cast %scan3A_178 : i32 to index
          %get3A_267 = arith.index_cast %mul3A_264 : i32 to index
          %get3A_268 = tpu.vector_load %arg6[%get3A_265, %get3A_266, %get3A_267] {strides = array<i32>} : memref<3x64x512xf32, #tpu.memory_space<vmem>>, vector<1x1x16xf32>,
          %get3A_269 = vector.shape_cast %get3A_268 : vector<1x1x16xf32> to vector<16xf32>
          %mul3A_270 = arith.constant 22.6274166 : f32
          %mul3A_271 = vector.broadcast %mul3A_270 : f32 to vector<16xf32>
          %mul3A_272 = arith.mulf %get3A_269, %mul3A_271 : vector<16xf32>
          %swap3A_273 = arith.index_cast %rem3A_122 : i32 to index
          %swap3A_274 = arith.index_cast %scan3A_178 : i32 to index
          %swap3A_275 = arith.index_cast %mul3A_264 : i32 to index
          %swap3A_276 = tpu.vector_load %arg6[%swap3A_273, %swap3A_274, %swap3A_275] {strides = array<i32>} : memref<3x64x512xf32, #tpu.memory_space<vmem>>, vector<1x1x16xf32>,
          %swap3A_277 = vector.shape_cast %swap3A_276 : vector<1x1x16xf32> to vector<16xf32>
          %swap3A_278 = vector.shape_cast %mul3A_272 : vector<16xf32> to vector<1x1x16xf32>
          tpu.vector_store %arg6[%swap3A_273, %swap3A_274, %swap3A_275], %swap3A_278 {strides = array<i32>} : memref<3x64x512xf32, #tpu.memory_space<vmem>>, vector<1x1x16xf32>,
          %scan3A_279 = arith.constant 0 : i32
          %scan3A_280 = arith.constant 5 : i32
          %scan3A_281 = arith.addi %scan3A_187, %scan3A_280 : i32
          %mul3A_282 = arith.constant 16 : i32
          %mul3A_283 = arith.muli %scan3A_281, %mul3A_282 : i32
          %get3A_284 = arith.index_cast %rem3A_122 : i32 to index
          %get3A_285 = arith.index_cast %scan3A_178 : i32 to index
          %get3A_286 = arith.index_cast %mul3A_283 : i32 to index
          %get3A_287 = tpu.vector_load %arg6[%get3A_284, %get3A_285, %get3A_286] {strides = array<i32>} : memref<3x64x512xf32, #tpu.memory_space<vmem>>, vector<1x1x16xf32>,
          %get3A_288 = vector.shape_cast %get3A_287 : vector<1x1x16xf32> to vector<16xf32>
          %mul3A_289 = arith.constant 22.6274166 : f32
          %mul3A_290 = vector.broadcast %mul3A_289 : f32 to vector<16xf32>
          %mul3A_291 = arith.mulf %get3A_288, %mul3A_290 : vector<16xf32>
          %swap3A_292 = arith.index_cast %rem3A_122 : i32 to index
          %swap3A_293 = arith.index_cast %scan3A_178 : i32 to index
          %swap3A_294 = arith.index_cast %mul3A_283 : i32 to index
          %swap3A_295 = tpu.vector_load %arg6[%swap3A_292, %swap3A_293, %swap3A_294] {strides = array<i32>} : memref<3x64x512xf32, #tpu.memory_space<vmem>>, vector<1x1x16xf32>,
          %swap3A_296 = vector.shape_cast %swap3A_295 : vector<1x1x16xf32> to vector<16xf32>
          %swap3A_297 = vector.shape_cast %mul3A_291 : vector<16xf32> to vector<1x1x16xf32>
          tpu.vector_store %arg6[%swap3A_292, %swap3A_293, %swap3A_294], %swap3A_297 {strides = array<i32>} : memref<3x64x512xf32, #tpu.memory_space<vmem>>, vector<1x1x16xf32>,
          %scan3A_298 = arith.constant 0 : i32
          %scan3A_299 = arith.constant 6 : i32
          %scan3A_300 = arith.addi %scan3A_187, %scan3A_299 : i32
          %mul3A_301 = arith.constant 16 : i32
          %mul3A_302 = arith.muli %scan3A_300, %mul3A_301 : i32
          %get3A_303 = arith.index_cast %rem3A_122 : i32 to index
          %get3A_304 = arith.index_cast %scan3A_178 : i32 to index
          %get3A_305 = arith.index_cast %mul3A_302 : i32 to index
          %get3A_306 = tpu.vector_load %arg6[%get3A_303, %get3A_304, %get3A_305] {strides = array<i32>} : memref<3x64x512xf32, #tpu.memory_space<vmem>>, vector<1x1x16xf32>,
          %get3A_307 = vector.shape_cast %get3A_306 : vector<1x1x16xf32> to vector<16xf32>
          %mul3A_308 = arith.constant 22.6274166 : f32
          %mul3A_309 = vector.broadcast %mul3A_308 : f32 to vector<16xf32>
          %mul3A_310 = arith.mulf %get3A_307, %mul3A_309 : vector<16xf32>
          %swap3A_311 = arith.index_cast %rem3A_122 : i32 to index
          %swap3A_312 = arith.index_cast %scan3A_178 : i32 to index
          %swap3A_313 = arith.index_cast %mul3A_302 : i32 to index
          %swap3A_314 = tpu.vector_load %arg6[%swap3A_311, %swap3A_312, %swap3A_313] {strides = array<i32>} : memref<3x64x512xf32, #tpu.memory_space<vmem>>, vector<1x1x16xf32>,
          %swap3A_315 = vector.shape_cast %swap3A_314 : vector<1x1x16xf32> to vector<16xf32>
          %swap3A_316 = vector.shape_cast %mul3A_310 : vector<16xf32> to vector<1x1x16xf32>
          tpu.vector_store %arg6[%swap3A_311, %swap3A_312, %swap3A_313], %swap3A_316 {strides = array<i32>} : memref<3x64x512xf32, #tpu.memory_space<vmem>>, vector<1x1x16xf32>,
          %scan3A_317 = arith.constant 0 : i32
          %scan3A_318 = arith.constant 7 : i32
          %scan3A_319 = arith.addi %scan3A_187, %scan3A_318 : i32
          %mul3A_320 = arith.constant 16 : i32
          %mul3A_321 = arith.muli %scan3A_319, %mul3A_320 : i32
          %get3A_322 = arith.index_cast %rem3A_122 : i32 to index
          %get3A_323 = arith.index_cast %scan3A_178 : i32 to index
          %get3A_324 = arith.index_cast %mul3A_321 : i32 to index
          %get3A_325 = tpu.vector_load %arg6[%get3A_322, %get3A_323, %get3A_324] {strides = array<i32>} : memref<3x64x512xf32, #tpu.memory_space<vmem>>, vector<1x1x16xf32>,
          %get3A_326 = vector.shape_cast %get3A_325 : vector<1x1x16xf32> to vector<16xf32>
          %mul3A_327 = arith.constant 22.6274166 : f32
          %mul3A_328 = vector.broadcast %mul3A_327 : f32 to vector<16xf32>
          %mul3A_329 = arith.mulf %get3A_326, %mul3A_328 : vector<16xf32>
          %swap3A_330 = arith.index_cast %rem3A_122 : i32 to index
          %swap3A_331 = arith.index_cast %scan3A_178 : i32 to index
          %swap3A_332 = arith.index_cast %mul3A_321 : i32 to index
          %swap3A_333 = tpu.vector_load %arg6[%swap3A_330, %swap3A_331, %swap3A_332] {strides = array<i32>} : memref<3x64x512xf32, #tpu.memory_space<vmem>>, vector<1x1x16xf32>,
          %swap3A_334 = vector.shape_cast %swap3A_333 : vector<1x1x16xf32> to vector<16xf32>
          %swap3A_335 = vector.shape_cast %mul3A_329 : vector<16xf32> to vector<1x1x16xf32>
          tpu.vector_store %arg6[%swap3A_330, %swap3A_331, %swap3A_332], %swap3A_335 {strides = array<i32>} : memref<3x64x512xf32, #tpu.memory_space<vmem>>, vector<1x1x16xf32>,
          %scan3A_336 = arith.constant 0 : i32
          scf.yield %scan3A_336 : i32
        }
        %scan3A_186 = arith.constant 32 : i32
        scf.yield %scan3A_185 : i32
      }
      %scan3A_159 = arith.constant 64 : i32
      %mul3A_160 = arith.constant 64 : i32
      %mul3A_161 = arith.muli %scan3A_119, %mul3A_160 : i32
      %add3A_162 = arith.addi %mul3A_2, %mul3A_161 : i32
      %dma_start3A_163 = arith.constant 0 : i32
      %dma_start3A_164 = arith.constant 0 : i32
      %dma_start3A_165 = tpu.memref_slice %arg6[%rem3A_122, %dma_start3A_163, %dma_start3A_164] : memref<3x64x512xf32, #tpu.memory_space<vmem>> -> memref<1x64x512xf32, #tpu.memory_space<vmem>>
      %dma_start3A_166 = tpu.memref_squeeze %dma_start3A_165 : memref<1x64x512xf32, #tpu.memory_space<vmem>> -> memref<64x512xf32, #tpu.memory_space<vmem>>
      %dma_start3A_167 = arith.constant 0 : i32
      %dma_start3A_168 = tpu.memref_slice %arg4[%add3A_162, %dma_start3A_167] : memref<32768x512xf32, #tpu.memory_space<hbm>> -> memref<64x512xf32, #tpu.memory_space<hbm>>
      %dma_start3A_169 = tpu.memref_slice %arg8[%rem3A_122] : memref<3x!tpu.dma_semaphore, #tpu.memory_space<semaphore_mem>> -> memref<1x!tpu.dma_semaphore, #tpu.memory_space<semaphore_mem>>
      %dma_start3A_170 = tpu.memref_squeeze %dma_start3A_169 : memref<1x!tpu.dma_semaphore, #tpu.memory_space<semaphore_mem>> -> memref<!tpu.dma_semaphore, #tpu.memory_space<semaphore_mem>>
      %dma_start3A_171 = arith.constant 0 : i32
      %dma_start3A_172 = tpu.memref_slice %arg4[%add3A_162, %dma_start3A_171] : memref<32768x512xf32, #tpu.memory_space<hbm>> -> memref<64x512xf32, #tpu.memory_space<hbm>>
      %dma_start3A_173 = arith.constant 0 : i32
      %dma_start3A_174 = arith.constant 0 : i32
      %dma_start3A_175 = tpu.memref_slice %arg6[%rem3A_122, %dma_start3A_173, %dma_start3A_174] : memref<3x64x512xf32, #tpu.memory_space<vmem>> -> memref<1x64x512xf32, #tpu.memory_space<vmem>>
      %dma_start3A_176 = tpu.memref_squeeze %dma_start3A_175 : memref<1x64x512xf32, #tpu.memory_space<vmem>> -> memref<64x512xf32, #tpu.memory_space<vmem>>
      tpu.enqueue_dma source(%dma_start3A_176 : memref<64x512xf32, #tpu.memory_space<vmem>>) target(%dma_start3A_172 : memref<64x512xf32, #tpu.memory_space<hbm>>) target_semaphore(%dma_start3A_170 : memref<!tpu.dma_semaphore, #tpu.memory_space<semaphore_mem>>)
      %scan3A_177 = arith.constant 0 : i32
      scf.yield %scan3A_177 : i32
    }
    %scan3A_65 = arith.constant 16 : i32
    %add3A_66 = arith.constant 832 : i32
    %add3A_67 = arith.addi %mul3A_2, %add3A_66 : i32
    %dma_wait3A = arith.constant 1 : i32
    %dma_wait3A_68 = arith.constant 1 : i32
    %dma_wait3A_69 = arith.constant 0 : i32
    %dma_wait3A_70 = arith.constant 0 : i32
    %dma_wait3A_71 = tpu.memref_slice %arg6[%dma_wait3A, %dma_wait3A_69, %dma_wait3A_70] : memref<3x64x512xf32, #tpu.memory_space<vmem>> -> memref<1x64x512xf32, #tpu.memory_space<vmem>>
    %dma_wait3A_72 = tpu.memref_squeeze %dma_wait3A_71 : memref<1x64x512xf32, #tpu.memory_space<vmem>> -> memref<64x512xf32, #tpu.memory_space<vmem>>
    %dma_wait3A_73 = arith.constant 0 : i32
    %dma_wait3A_74 = tpu.memref_slice %arg4[%add3A_67, %dma_wait3A_73] : memref<32768x512xf32, #tpu.memory_space<hbm>> -> memref<64x512xf32, #tpu.memory_space<hbm>>
    %dma_wait3A_75 = tpu.memref_slice %arg8[%dma_wait3A_68] : memref<3x!tpu.dma_semaphore, #tpu.memory_space<semaphore_mem>> -> memref<1x!tpu.dma_semaphore, #tpu.memory_space<semaphore_mem>>
    %dma_wait3A_76 = tpu.memref_squeeze %dma_wait3A_75 : memref<1x!tpu.dma_semaphore, #tpu.memory_space<semaphore_mem>> -> memref<!tpu.dma_semaphore, #tpu.memory_space<semaphore_mem>>
    %dma_wait3A_77 = arith.constant 0 : i32
    %dma_wait3A_78 = tpu.memref_slice %arg4[%add3A_67, %dma_wait3A_77] : memref<32768x512xf32, #tpu.memory_space<hbm>> -> memref<64x512xf32, #tpu.memory_space<hbm>>
    %dma_wait3A_79 = arith.constant 0 : i32
    %dma_wait3A_80 = arith.constant 0 : i32
    %dma_wait3A_81 = tpu.memref_slice %arg6[%dma_wait3A, %dma_wait3A_79, %dma_wait3A_80] : memref<3x64x512xf32, #tpu.memory_space<vmem>> -> memref<1x64x512xf32, #tpu.memory_space<vmem>>
    %dma_wait3A_82 = tpu.memref_squeeze %dma_wait3A_81 : memref<1x64x512xf32, #tpu.memory_space<vmem>> -> memref<64x512xf32, #tpu.memory_space<vmem>>
    tpu.wait_dma2 semaphore(%dma_wait3A_76 : memref<!tpu.dma_semaphore, #tpu.memory_space<semaphore_mem>>) src(%dma_wait3A_82 : memref<64x512xf32, #tpu.memory_space<vmem>>) dst(%dma_wait3A_78 : memref<64x512xf32, #tpu.memory_space<hbm>>)
    %add3A_83 = arith.constant 896 : i32
    %add3A_84 = arith.addi %mul3A_2, %add3A_83 : i32
    %dma_wait3A_85 = arith.constant 2 : i32
    %dma_wait3A_86 = arith.constant 2 : i32
    %dma_wait3A_87 = arith.constant 0 : i32
    %dma_wait3A_88 = arith.constant 0 : i32
    %dma_wait3A_89 = tpu.memref_slice %arg6[%dma_wait3A_85, %dma_wait3A_87, %dma_wait3A_88] : memref<3x64x512xf32, #tpu.memory_space<vmem>> -> memref<1x64x512xf32, #tpu.memory_space<vmem>>
    %dma_wait3A_90 = tpu.memref_squeeze %dma_wait3A_89 : memref<1x64x512xf32, #tpu.memory_space<vmem>> -> memref<64x512xf32, #tpu.memory_space<vmem>>
    %dma_wait3A_91 = arith.constant 0 : i32
    %dma_wait3A_92 = tpu.memref_slice %arg4[%add3A_84, %dma_wait3A_91] : memref<32768x512xf32, #tpu.memory_space<hbm>> -> memref<64x512xf32, #tpu.memory_space<hbm>>
    %dma_wait3A_93 = tpu.memref_slice %arg8[%dma_wait3A_86] : memref<3x!tpu.dma_semaphore, #tpu.memory_space<semaphore_mem>> -> memref<1x!tpu.dma_semaphore, #tpu.memory_space<semaphore_mem>>
    %dma_wait3A_94 = tpu.memref_squeeze %dma_wait3A_93 : memref<1x!tpu.dma_semaphore, #tpu.memory_space<semaphore_mem>> -> memref<!tpu.dma_semaphore, #tpu.memory_space<semaphore_mem>>
    %dma_wait3A_95 = arith.constant 0 : i32
    %dma_wait3A_96 = tpu.memref_slice %arg4[%add3A_84, %dma_wait3A_95] : memref<32768x512xf32, #tpu.memory_space<hbm>> -> memref<64x512xf32, #tpu.memory_space<hbm>>
    %dma_wait3A_97 = arith.constant 0 : i32
    %dma_wait3A_98 = arith.constant 0 : i32
    %dma_wait3A_99 = tpu.memref_slice %arg6[%dma_wait3A_85, %dma_wait3A_97, %dma_wait3A_98] : memref<3x64x512xf32, #tpu.memory_space<vmem>> -> memref<1x64x512xf32, #tpu.memory_space<vmem>>
    %dma_wait3A_100 = tpu.memref_squeeze %dma_wait3A_99 : memref<1x64x512xf32, #tpu.memory_space<vmem>> -> memref<64x512xf32, #tpu.memory_space<vmem>>
    tpu.wait_dma2 semaphore(%dma_wait3A_94 : memref<!tpu.dma_semaphore, #tpu.memory_space<semaphore_mem>>) src(%dma_wait3A_100 : memref<64x512xf32, #tpu.memory_space<vmem>>) dst(%dma_wait3A_96 : memref<64x512xf32, #tpu.memory_space<hbm>>)
    %add3A_101 = arith.constant 960 : i32
    %add3A_102 = arith.addi %mul3A_2, %add3A_101 : i32
    %dma_wait3A_103 = arith.constant 0 : i32
    %dma_wait3A_104 = arith.constant 0 : i32
    %dma_wait3A_105 = arith.constant 0 : i32
    %dma_wait3A_106 = arith.constant 0 : i32
    %dma_wait3A_107 = tpu.memref_slice %arg6[%dma_wait3A_103, %dma_wait3A_105, %dma_wait3A_106] : memref<3x64x512xf32, #tpu.memory_space<vmem>> -> memref<1x64x512xf32, #tpu.memory_space<vmem>>
    %dma_wait3A_108 = tpu.memref_squeeze %dma_wait3A_107 : memref<1x64x512xf32, #tpu.memory_space<vmem>> -> memref<64x512xf32, #tpu.memory_space<vmem>>
    %dma_wait3A_109 = arith.constant 0 : i32
    %dma_wait3A_110 = tpu.memref_slice %arg4[%add3A_102, %dma_wait3A_109] : memref<32768x512xf32, #tpu.memory_space<hbm>> -> memref<64x512xf32, #tpu.memory_space<hbm>>
    %dma_wait3A_111 = tpu.memref_slice %arg8[%dma_wait3A_104] : memref<3x!tpu.dma_semaphore, #tpu.memory_space<semaphore_mem>> -> memref<1x!tpu.dma_semaphore, #tpu.memory_space<semaphore_mem>>
    %dma_wait3A_112 = tpu.memref_squeeze %dma_wait3A_111 : memref<1x!tpu.dma_semaphore, #tpu.memory_space<semaphore_mem>> -> memref<!tpu.dma_semaphore, #tpu.memory_space<semaphore_mem>>
    %dma_wait3A_113 = arith.constant 0 : i32
    %dma_wait3A_114 = tpu.memref_slice %arg4[%add3A_102, %dma_wait3A_113] : memref<32768x512xf32, #tpu.memory_space<hbm>> -> memref<64x512xf32, #tpu.memory_space<hbm>>
    %dma_wait3A_115 = arith.constant 0 : i32
    %dma_wait3A_116 = arith.constant 0 : i32
    %dma_wait3A_117 = tpu.memref_slice %arg6[%dma_wait3A_103, %dma_wait3A_115, %dma_wait3A_116] : memref<3x64x512xf32, #tpu.memory_space<vmem>> -> memref<1x64x512xf32, #tpu.memory_space<vmem>>
    %dma_wait3A_118 = tpu.memref_squeeze %dma_wait3A_117 : memref<1x64x512xf32, #tpu.memory_space<vmem>> -> memref<64x512xf32, #tpu.memory_space<vmem>>
    tpu.wait_dma2 semaphore(%dma_wait3A_112 : memref<!tpu.dma_semaphore, #tpu.memory_space<semaphore_mem>>) src(%dma_wait3A_118 : memref<64x512xf32, #tpu.memory_space<vmem>>) dst(%dma_wait3A_114 : memref<64x512xf32, #tpu.memory_space<hbm>>)
    return
  }
}

</mosaic_0001>

<sc_bundles>
// kernel: _embed.3.cloned.1.call-start
scs
__scs_entry_jumppad:
0x0: {  	(pc) =	sbr.rel $0x88, $3  }
0x1: {  	(tag) =	ssettag $0x0;
	lr =	simm.s32 $0x1  }
0x2: {  	[smem:$0x3F9F] =	sst lr;
	_ =	strace $0xD0000000  }
0x3: {  	_ = 	snop  }
0x4: {  	_ = 	snop  }
0x5: {  	_ = 	snop  }
0x6: {  	_ = 	snop  }
0x7: {  	_ = 	snop  }
__scs_overlays_trampoline_lowered:
0x8: {  	[smem:$0x3FAE] =	sst s0  }
0x9: {  	[smem:$0x3FAF] =	sst s1  }
0xa: {  	[smem:$0x3FB0] =	sst s2  }
0xb: {  	[smem:$0x3FB1] =	sst s3  }
0xc: {  	[smem:$0x3FB2] =	sst s4  }
0xd: {  	[smem:$0x3FB3] =	sst s5  }
0xe: {  	[smem:$0x3FB4] =	sst s6  }
0xf: {  	[smem:$0x3FB5] =	sst s7  }
0x10: {  	[smem:$0x3FB6] =	sst s8  }
0x11: {  	[smem:$0x3FB7] =	sst s9;
	s0 =	simm.s32 @!p0 $0x0  }
0x12: {  	s1 =	sld [smem:$0x3F9D];
	s0 =	simm.s32 @p0 $0x1  }
0x13: {  	[smem:$0x3FB8] =	sst s0;
	s0 =	simm.s32 @!p1 $0x0  }
0x14: {  	s2 =	sld [smem:$0x3F9C];
	s0 =	simm.s32 @p1 $0x1  }
0x15: {  	[smem:$0x3FB9] =	sst s0;
	s0 =	simm.s32 @!p2 $0x0  }
0x16: {  	s3 =	sld [smem:$0x3FDB];
	s0 =	simm.s32 @p2 $0x1  }
0x17: {  	s4 =	simm.s32 $0x1BF5;
	[smem:$0x3FBB] =	sst s0  }
0x18: {  	s0 =	sld [smem:$0x3F9E];
	_ =	swait.ge [sflag:s4], $0x0  }
0x19: {  	s7 =	sld [smem:$0x3F9F]  }
0x1a: {  	s8 =	sadd.s32 $0xFFFFE003, lr  }
0x1b: {  	s9 =	sadd.s32 $0xFFFFFEF7, lr;
	s5 =	simm.s32 $0xFFFFFFFF;
	p2 =	slt.u32 s8, $0xFFFFF086  }
0x1c: {  	p1 =	slt.u32 s9, $0xF7A;
	s5 =	simm.s32 @!p2 $0x0  }
0x1d: {  	s5 =	simm.s32 @p1 $0x1;
	p0 =	seq.s32 s7, s2  }
0x1e: {  	s7 =	smul.u32 @!p0 $0xF7A, s2;
	p2 =	seq.s32 @!p0 s5, $0x0  }
0x1f: {  	s9 =	smul.u32 $0xF7A, s1;
	s8 =	simm.s32 @!p0 $0x1BF5;
	p2 =	por !p2, p0  }
0x20: {  	[sflag:s8] =	ssyncset.s32 @!p0 $0xFFFFF086;
	s6 =	sadd.s32 @!p0 s3, s7;
	s7 =	simm.s32 @!p0 $0x108  }
0x21: {  	s3 =	sadd.s32 s3, s9;
	s6 =	sadd.s32 @!p0 $0x88, s6;
	s7 =	simm.s32 @p2 $0x1082  }
0x22: {  	[simem:s7], [sflag:s8] =	dma.local @!p0 [hbm:s6], $0xF7A  }
0x23: {  	s9 =	sor.u32 $0xD0000000, s2;
	s6 =	simm.s32 $0x108;
	_ =	swait.ge @!p0 [sflag:s8], $0x0  }
0x24: {  	s3 =	sadd.s32 $0x88, s3;
	s6 =	simm.s32 @!p1 $0x1082;
	[sflag:s4] =	ssyncset.s32 $0xFFFFF086  }
0x25: {  	[simem:s6], [sflag:s4] =	dma.local [hbm:s3], $0xF7A  }
0x26: {  	[smem:$0x3F9F] =	sst s1;
	(tag) =	ssettag s2;
	_ =	strace s9  }
0x27: {  	s1 =	sld [smem:$0x3FAF]  }
0x28: {  	s2 =	sld [smem:$0x3FB0]  }
0x29: {  	s4 =	sld [smem:$0x3FB2]  }
0x2a: {  	p0 =	seq.s32 s5, $0x0;
	s5 =	sld [smem:$0x3FB3]  }
0x2b: {  	s6 =	sld [smem:$0x3FB4]  }
0x2c: {  	s7 =	sld [smem:$0x3FB5]  }
0x2d: {  	s3 =	simm.s32 $0x108;
	s8 =	sld [smem:$0x3FB6]  }
0x2e: {  	s3 =	simm.s32 @!p0 $0x1082;
	s9 =	sld [smem:$0x3FB7]  }
0x2f: {  	lr =	sadd.s32 s0, s3;
	s0 =	sld [smem:$0x3FAE]  }
0x30: {  	s3 =	sld [smem:$0x3FB1]  }
0x31: {  	[smem:$0x3FBA] =	sst s10  }
0x32: {  	s10 =	sld [smem:$0x3FB8];
	_ =	sdelay $0x3  }
0x33: {  	p0 =	seq.s32 s10, $0x1;
	s10 =	sld [smem:$0x3FBA];
	_ =	sdelay $0x3  }
0x34: {  	[smem:$0x3FBA] =	sst s10  }
0x35: {  	s10 =	sld [smem:$0x3FB9];
	_ =	sdelay $0x3  }
0x36: {  	p1 =	seq.s32 s10, $0x1;
	s10 =	sld [smem:$0x3FBA];
	_ =	sdelay $0x3  }
0x37: {  	[smem:$0x3FBA] =	sst s10  }
0x38: {  	s10 =	sld [smem:$0x3FBB]  }
0x39: {  	_ = 	snop;
	(pc) =	sbr.ind lr, $3  }
0x3a: {  	_ = 	snop  }
0x3b: {  	_ = 	snop  }
0x3c: {  	p2 =	seq.s32 s10, $0x1;
	s10 =	sld [smem:$0x3FBA]  }
0x3d: {  	_ =	shalt  }
0x3e: {  	_ =	shalt  }
0x3f: {  	_ =	shalt  }
0x40: {  	_ =	shalt  }
0x41: {  	_ =	shalt  }
0x42: {  	_ =	shalt  }
0x43: {  	_ =	shalt  }
0x44: {  	_ =	shalt  }
0x45: {  	_ =	shalt  }
0x46: {  	_ =	shalt  }
0x47: {  	_ =	shalt  }
0x48: {  	_ =	shalt  }
0x49: {  	_ =	shalt  }
0x4a: {  	_ =	shalt  }
0x4b: {  	_ =	shalt  }
0x4c: {  	_ =	shalt  }
0x4d: {  	_ =	shalt  }
0x4e: {  	_ =	shalt  }
0x4f: {  	_ =	shalt  }
0x50: {  	_ =	shalt  }
0x51: {  	_ =	shalt  }
0x52: {  	_ =	shalt  }
0x53: {  	_ =	shalt  }
0x54: {  	_ =	shalt  }
0x55: {  	_ =	shalt  }
0x56: {  	_ =	shalt  }
0x57: {  	_ =	shalt  }
0x58: {  	_ =	shalt  }
0x59: {  	_ =	shalt  }
0x5a: {  	_ =	shalt  }
0x5b: {  	_ =	shalt  }
0x5c: {  	_ =	shalt  }
0x5d: {  	_ =	shalt  }
0x5e: {  	_ =	shalt  }
0x5f: {  	_ =	shalt  }
0x60: {  	_ =	shalt  }
0x61: {  	_ =	shalt  }
0x62: {  	_ =	shalt  }
0x63: {  	_ =	shalt  }
0x64: {  	_ =	shalt  }
0x65: {  	_ =	shalt  }
0x66: {  	_ =	shalt  }
0x67: {  	_ =	shalt  }
0x68: {  	_ =	shalt  }
0x69: {  	_ =	shalt  }
0x6a: {  	_ =	shalt  }
0x6b: {  	_ =	shalt  }
0x6c: {  	_ =	shalt  }
0x6d: {  	_ =	shalt  }
0x6e: {  	_ =	shalt  }
0x6f: {  	_ =	shalt  }
0x70: {  	_ =	shalt  }
0x71: {  	_ =	shalt  }
0x72: {  	_ =	shalt  }
0x73: {  	_ =	shalt  }
0x74: {  	_ =	shalt  }
0x75: {  	_ =	shalt  }
0x76: {  	_ =	shalt  }
0x77: {  	_ =	shalt  }
0x78: {  	_ =	shalt  }
0x79: {  	_ =	shalt  }
0x7a: {  	_ =	shalt  }
0x7b: {  	_ =	shalt  }
0x7c: {  	_ =	shalt  }
0x7d: {  	_ =	shalt  }
0x7e: {  	_ =	shalt  }
0x7f: {  	_ =	shalt  }
0x80: {  	_ =	shalt  }
0x81: {  	_ =	shalt  }
0x82: {  	_ =	shalt  }
0x83: {  	_ =	shalt  }
0x84: {  	_ =	shalt  }
0x85: {  	_ =	shalt  }
0x86: {  	_ =	shalt  }
0x87: {  	_ =	shalt  }
.Lfunc_end0:
.L_simem_size_0:
called_computation_lowered:
.L_overlay_start_0:
0x88: {  	s2 =	sld [smem:$0x3FD9]  }
0x89: {  	s3 =	sld [smem:$0x3FFE];
	_ =	sdelay $0x1  }
0x8a: {  	s1 =	srdreg.scid  }
0x8b: {  	s0 =	sand.u32 $0x1, s1  }
0x8c: {  	s18 =	sshll.u32 s0, $0xA;
	s2 =	sadd.s32 s3, s2  }
0x8d: {  	s2 =	sadd.s32 s2, s18  }
0x8e: {  	[smem:$0x3FC6] =	sst s2  }
0x8f: {  	_ = 	snop  }
0x90: {  	s2 =	sld [smem:$0x3FC9]  }
0x91: {  	s19 =	sld [smem:$0x3FC8]  }
0x92: {  	s4 =	sld [smem:$0x3FD0];
	(tm) =	ssettm $0x1  }
0x93: {  	s5 =	sld [smem:$0x3FFB];
	_ =	sdelay $0x3  }
0x94: {  	_ =	strace s5  }
0x95: {  	s5 =	sld [smem:$0x3FFC];
	_ =	sdelay $0x3  }
0x96: {  	_ =	strace s5  }
0x97: {  	s5 =	sld [smem:$0x3FFD];
	_ =	sdelay $0x3  }
0x98: {  	_ =	strace s5  }
0x99: {  	_ =	strace $0x8FFFFFFF  }
0x9a: {  	s20 =	sld [smem:$0x3FDB];
	_ =	sdelay $0x1  }
0x9b: {  	s6 =	simm.s32 $_scs_section_size  }
0x9c: {  	s7 =	simm.s32 $_size__tile_overlayer_lowered;
	s8 =	simm.s32 $_tile_overlayer_lowered  }
0x9d: {  	s23 =	simm.s32 $0x1BFF;
	s22 =	sshll.u32 s8, $0x1;
	s5 =	sadd.s32 s6, s20  }
0x9e: {  	s9 =	simm.s32 $0x0;
	s21 =	sshll.u32 s7, $0x1;
	s7 =	sadd.s32 s22, s5  }
0x9f: {  	[timem:s9], [sflag:s23] =	dma.local [hbm:s7], s21  }
0xa0: {  	_ =	swait.ge [sflag:s23], s21  }
0xa1: {  	s6 =	ssub.s32 $0x0, s21;
	[sflag:s23] =	ssyncset.done $0x0  }
0xa2: {  	[sflag:s23] =	ssyncadd.s32 s6;
	_ =	sdelay $0x1  }
0xa3: {  	s24 =	simm.s32 $0x1B8B  }
0xa4: {  	_ =	swait.ge [sflag:s24], $0x1  }
0xa5: {  	[sflag:s24] =	ssyncset.done $0x0  }
0xa6: {  	s25 =	simm.s32 $0x1B8E;
	[sflag:s24] =	ssyncadd.s32 $0xFFFFFFFF  }
0xa7: {  	s26 =	simm.s32 $execute0_lowered;
	[smem:$0x3FD2] =	sst s25  }
0xa8: {  	s6 =	sshll.u32 s26, $0x1;
	_ =	strace $0x80000046;
	[dreg:$0x1] =	wrdreg $0xFFFFFFFF  }
0xa9: {  	s28 =	simm.s32 $_size_execute0_lowered;
	s5 =	sadd.s32 s5, s6;
	[dreg:$0x0] =	wrdreg $0x0  }
0xaa: {  	s6 =	sshll.u32 s28, $0x1;
	[dreg:$0x2] =	wrdreg s5  }
0xab: {  	[dreg:$0x3] =	wrdreg s6  }
0xac: {  	[dreg:$0x4] =	wrdreg $0xC0  }
0xad: {  	_ =	task [dreg:s9], $0x5FFFF  }
0xae: {  	[dreg:$0x1] =	wrdreg $0xFFFFFFFF  }
0xaf: {  	[dreg:$0x0] =	wrdreg $0x60  }
0xb0: {  	[dreg:$0x2] =	wrdreg s2  }
0xb1: {  	[dreg:$0x3] =	wrdreg s19  }
0xb2: {  	[dreg:$0x4] =	wrdreg s4  }
0xb3: {  	[dreg:$0x5] =	wrdreg $0x9  }
0xb4: {  	_ =	task.clear_ibuf [dreg:s9], $0x6FFFF;
	_ =	strace $0x90000046  }
0xb5: {  	s29 =	simm.s32 $0x9;
	_ =	strace $0x80000048  }
0xb6: {  	_ =	swait.ge [sflag:s29], $0x1  }
0xb7: {  	[sflag:s29] =	ssyncadd.s32 $0xFFFFFFFF  }
0xb8: {  	_ =	strace $0x90000048  }
0xb9: {  	_ =	sfence  }
0xba: {  	s30 =	sld [smem:$0x0];
	_ =	sdelay $0x2  }
0xbb: {  	s31 =	sshll.u32 s1, $0xD;
	s1 =	sshrl.u32 s1, $0x2  }
0xbc: {  	s3 =	sand.u32 $0x4000, s31;
	s1 =	sadd.s32 s1, s30  }
0xbd: {  	s0 =	sor.u32 s3, s0;
	s1 =	sshll.u32 s1, $0x11  }
0xbe: {  	s0 =	sor.u32 s1, s0  }
0xbf: {  	s0 =	sadd.s32 $0x8F2B, s0  }
0xc0: {  	[sflag:s0] =	ssyncadd.remote.s32 $0x1  }
0xc1: {  	_ =	sfence.sel $0xFFFF  }
0xc2: {  	[dreg:$0x0] =	wrdreg $0xFFFFFFFF;
	(pc) =	sbr.abs _section_cstart, $3  }
0xc3: {  	[dreg:$0x1] =	wrdreg $0xFFFFFFFF  }
0xc4: {  	_ =	task.clear_ibuf [dreg:s9], $0x2FFFF;
	_ =	strace $0x9FFFFFFF  }
0xc5: {  	(tm) =	ssettm $0x7FFFFFFF  }
tec
execute0_lowered:
.L_overlay_start_1:
0x0: {  	(tag) =	ssettag $0x1  }
0x1: {  	s1 =	rddreg [dreg:$0x0]  }
0x2: {  	s0 =	rddreg [dreg:$0x1]  }
0x3: {  	s2 =	rddreg [dreg:$0x2];
	s3 =	simm.s32 $0x0;
	s4 =	srdreg.scid  }
0x4: {  	s6 =	stileid.u32;
	s10 =	simm.s32 $0x7;
	s9 =	simm.s32 $0xBC00  }
0x5: {  	s11 =	simm.s32 $0xC400;
	s12 =	simm.s32 $0xCC00;
	s13 =	simm.s32 $0xD400  }
0x6: {  	s14 =	simm.s32 $0xDC00;
	s15 =	simm.s32 $0xE400;
	s16 =	simm.s32 $0xEC00  }
0x7: {  	s17 =	simm.s32 $0xF400;
	s18 =	simm.s32 $0xFC00;
	s19 =	simm.s32 $0x5  }
0x8: {  	s20 =	simm.s32 $0x6;
	s21 =	simm.s32 $0x4;
	s22 =	simm.s32 $0x0  }
0x9: {  	[smem:$0x7FF] =	sst s3;
	s4 =	sand.u32 $0x1, s4;
	s5 =	sshll.u32 s6, $0x1  }
0xa: {  	s6 =	sshll.u32 s6, $0x2;
	_ =	strace $0x80000047;
	s5 =	sor.u32 s4, s5  }
0xb: {  	s4 =	ssub.s32 $0x2, s4;
	s6 =	sand.u32 $0x30, s6;
	s7 =	sshll.u32 s5, $0x9  }
0xc: {  	s8 =	sshrl.u32 s4, $0x1;
	s0 =	sadd.s32 s0, s6;
	s31 =	sshll.u32 s5, $0x10  }
0xd: {  	v2 =	vlaneseq.u32;
	s5 =	sadd.s32 $0x100, s1;
	s7 =	sand.u32 $0xE00, s7;
	s8 =	ssub.s32 s4, s8  }
0xe: {  	vm0 =	vmmov $0xffff;
	v1 =	vshrl.u32 v2, $0x3;
	s6 =	sadd.s32 s2, s31;
	s2 =	simm.s32 $0xAC00;
	s4 =	sadd.s32 s7, s0  }
0xf: {  	v0 =	vand.u32 $0x7, v2;
	v2 =	vor.u32 $0x8, v2;
	v1 =	vmul.u32 $0x8, v1;
	s7 =	smax.u32 s8, $0x1;
	s0 =	simm.s32 $0xA400;
	s8 =	simm.s32 $0xB400  }
.LBB2_1:
0x10: {  	s23 =	simm.s32 $0x80;
	s24 =	simm.s32 $0x200  }
0x11: {  	[tilespmem:s3], [sflag:$0x7] =	stream.strided.gather [hbm4b:s4+s23], $0x400, s24, s23, $0x38;
	[tilespmem:$0x18400] =	vst v63  }
0x12: {  	_ =	swait.ge [sflag:s10], $0x400  }
0x13: {  	[sflag:s10] =	ssyncset.done $0x0  }
0x14: {  	[sflag:s10] =	ssyncadd.s32 $0xFFFFFC00  }
0x15: {  	v3 =	vld [tilespmem:$0x0];
	_ =	sdelay $0x4  }
0x16: {  	v4 =	vshll.u32 v3, $0x2  }
0x17: {  	v3 =	vand.u32 $0x7, v3;
	v4 =	vand.u32 $0xFFFFFFE0, v4  }
0x18: {  	v3 =	vor.u32 v3, v4  }
0x19: {  	v4 =	vperm.xlane v3, v0;
	_ =	sdelay $0x1  }
0x1a: {  	v4 =	vadd.s32 v1, v4;
	_ =	sdelay $0x1  }
0x1b: {  	v3 =	vperm.xlane v3, v2;
	_ =	sdelay $0x1  }
0x1c: {  	s25 =	simm.s32 $0x400;
	v3 =	vadd.s32 v1, v3  }
0x1d: {  	[tilespmem:s25], [sflag:$0x1] =	stream.indirect_vreg.gather [hbm4b:s1+s3], $0x80, v4, vm0, $0xb8;
	[tilespmem:$0x18400] =	vst v63  }
0x1e: {  	s26 =	simm.s32 $0xC00  }
0x1f: {  	[tilespmem:s26], [sflag:$0x1] =	stream.indirect_vreg.gather [hbm4b:s5+s3], $0x80, v4, vm0, $0xb8;
	[tilespmem:$0x18400] =	vst v63  }
0x20: {  	s28 =	simm.s32 $0x1400  }
0x21: {  	[tilespmem:s28], [sflag:$0x1] =	stream.indirect_vreg.gather [hbm4b:s1+s3], $0x80, v3, vm0, $0xb8;
	[tilespmem:$0x18400] =	vst v63  }
0x22: {  	s29 =	simm.s32 $0x1C00  }
0x23: {  	[tilespmem:s29], [sflag:$0x1] =	stream.indirect_vreg.gather [hbm4b:s5+s3], $0x80, v3, vm0, $0xb8;
	[tilespmem:$0x18400] =	vst v63  }
0x24: {  	v3 =	vld [tilespmem:$0x10];
	_ =	sdelay $0x4  }
0x25: {  	v57 =	vshll.u32 v3, $0x2  }
0x26: {  	v3 =	vand.u32 $0x7, v3;
	v4 =	vand.u32 $0xFFFFFFE0, v57  }
0x27: {  	v3 =	vor.u32 v3, v4  }
0x28: {  	v4 =	vperm.xlane v3, v0;
	_ =	sdelay $0x1  }
0x29: {  	v4 =	vadd.s32 v1, v4;
	_ =	sdelay $0x1  }
0x2a: {  	v3 =	vperm.xlane v3, v2;
	_ =	sdelay $0x1  }
0x2b: {  	s30 =	simm.s32 $0x2400;
	v3 =	vadd.s32 v1, v3  }
0x2c: {  	[tilespmem:s30], [sflag:$0x1] =	stream.indirect_vreg.gather [hbm4b:s1+s3], $0x80, v4, vm0, $0xb8;
	[tilespmem:$0x18400] =	vst v63  }
0x2d: {  	s31 =	simm.s32 $0x2C00  }
0x2e: {  	[tilespmem:s31], [sflag:$0x1] =	stream.indirect_vreg.gather [hbm4b:s5+s3], $0x80, v4, vm0, $0xb8;
	[tilespmem:$0x18400] =	vst v63  }
0x2f: {  	s24 =	simm.s32 $0x3400  }
0x30: {  	[tilespmem:s24], [sflag:$0x1] =	stream.indirect_vreg.gather [hbm4b:s1+s3], $0x80, v3, vm0, $0xb8;
	[tilespmem:$0x18400] =	vst v63  }
0x31: {  	s25 =	simm.s32 $0x3C00  }
0x32: {  	[tilespmem:s25], [sflag:$0x1] =	stream.indirect_vreg.gather [hbm4b:s5+s3], $0x80, v3, vm0, $0xb8;
	[tilespmem:$0x18400] =	vst v63  }
0x33: {  	v3 =	vld [tilespmem:$0x20];
	_ =	sdelay $0x4  }
0x34: {  	v58 =	vshll.u32 v3, $0x2  }
0x35: {  	v3 =	vand.u32 $0x7, v3;
	v4 =	vand.u32 $0xFFFFFFE0, v58  }
0x36: {  	v3 =	vor.u32 v3, v4  }
0x37: {  	v4 =	vperm.xlane v3, v0;
	_ =	sdelay $0x1  }
0x38: {  	v4 =	vadd.s32 v1, v4;
	_ =	sdelay $0x1  }
0x39: {  	v3 =	vperm.xlane v3, v2;
	_ =	sdelay $0x1  }
0x3a: {  	s26 =	simm.s32 $0x4400;
	v3 =	vadd.s32 v1, v3  }
0x3b: {  	[tilespmem:s26], [sflag:$0x1] =	stream.indirect_vreg.gather [hbm4b:s1+s3], $0x80, v4, vm0, $0xb8;
	[tilespmem:$0x18400] =	vst v63  }
0x3c: {  	s28 =	simm.s32 $0x4C00  }
0x3d: {  	[tilespmem:s28], [sflag:$0x1] =	stream.indirect_vreg.gather [hbm4b:s5+s3], $0x80, v4, vm0, $0xb8;
	[tilespmem:$0x18400] =	vst v63  }
0x3e: {  	s29 =	simm.s32 $0x5400  }
0x3f: {  	[tilespmem:s29], [sflag:$0x1] =	stream.indirect_vreg.gather [hbm4b:s1+s3], $0x80, v3, vm0, $0xb8;
	[tilespmem:$0x18400] =	vst v63  }
0x40: {  	s30 =	simm.s32 $0x5C00  }
0x41: {  	[tilespmem:s30], [sflag:$0x1] =	stream.indirect_vreg.gather [hbm4b:s5+s3], $0x80, v3, vm0, $0xb8;
	[tilespmem:$0x18400] =	vst v63  }
0x42: {  	v3 =	vld [tilespmem:$0x30];
	_ =	sdelay $0x4  }
0x43: {  	v59 =	vshll.u32 v3, $0x2  }
0x44: {  	v3 =	vand.u32 $0x7, v3;
	v4 =	vand.u32 $0xFFFFFFE0, v59  }
0x45: {  	v3 =	vor.u32 v3, v4  }
0x46: {  	v4 =	vperm.xlane v3, v0;
	_ =	sdelay $0x1  }
0x47: {  	v4 =	vadd.s32 v1, v4;
	_ =	sdelay $0x1  }
0x48: {  	v3 =	vperm.xlane v3, v2;
	_ =	sdelay $0x1  }
0x49: {  	s31 =	simm.s32 $0x6400;
	v3 =	vadd.s32 v1, v3  }
0x4a: {  	[tilespmem:s31], [sflag:$0x1] =	stream.indirect_vreg.gather [hbm4b:s1+s3], $0x80, v4, vm0, $0xb8;
	[tilespmem:$0x18400] =	vst v63  }
0x4b: {  	s24 =	simm.s32 $0x6C00  }
0x4c: {  	[tilespmem:s24], [sflag:$0x1] =	stream.indirect_vreg.gather [hbm4b:s5+s3], $0x80, v4, vm0, $0xb8;
	[tilespmem:$0x18400] =	vst v63  }
0x4d: {  	s25 =	simm.s32 $0x7400  }
0x4e: {  	[tilespmem:s25], [sflag:$0x1] =	stream.indirect_vreg.gather [hbm4b:s1+s3], $0x80, v3, vm0, $0xb8;
	[tilespmem:$0x18400] =	vst v63  }
0x4f: {  	s26 =	simm.s32 $0x7C00  }
0x50: {  	[tilespmem:s26], [sflag:$0x1] =	stream.indirect_vreg.gather [hbm4b:s5+s3], $0x80, v3, vm0, $0xb8;
	[tilespmem:$0x18400] =	vst v63  }
0x51: {  	v3 =	vld [tilespmem:$0x40];
	_ =	sdelay $0x4  }
0x52: {  	v60 =	vshll.u32 v3, $0x2  }
0x53: {  	v3 =	vand.u32 $0x7, v3;
	v4 =	vand.u32 $0xFFFFFFE0, v60  }
0x54: {  	v3 =	vor.u32 v3, v4  }
0x55: {  	v4 =	vperm.xlane v3, v0;
	_ =	sdelay $0x1  }
0x56: {  	v4 =	vadd.s32 v1, v4;
	_ =	sdelay $0x1  }
0x57: {  	v3 =	vperm.xlane v3, v2;
	_ =	sdelay $0x1  }
0x58: {  	s28 =	simm.s32 $0x8400;
	v3 =	vadd.s32 v1, v3  }
0x59: {  	[tilespmem:s28], [sflag:$0x2] =	stream.indirect_vreg.gather [hbm4b:s1+s3], $0x80, v4, vm0, $0xb8;
	[tilespmem:$0x18400] =	vst v63  }
0x5a: {  	s29 =	simm.s32 $0x8C00  }
0x5b: {  	[tilespmem:s29], [sflag:$0x2] =	stream.indirect_vreg.gather [hbm4b:s5+s3], $0x80, v4, vm0, $0xb8;
	[tilespmem:$0x18400] =	vst v63  }
0x5c: {  	s30 =	simm.s32 $0x9400  }
0x5d: {  	[tilespmem:s30], [sflag:$0x2] =	stream.indirect_vreg.gather [hbm4b:s1+s3], $0x80, v3, vm0, $0xb8;
	[tilespmem:$0x18400] =	vst v63  }
0x5e: {  	s31 =	simm.s32 $0x9C00  }
0x5f: {  	[tilespmem:s31], [sflag:$0x2] =	stream.indirect_vreg.gather [hbm4b:s5+s3], $0x80, v3, vm0, $0xb8;
	[tilespmem:$0x18400] =	vst v63  }
0x60: {  	v3 =	vld [tilespmem:$0x50];
	_ =	sdelay $0x4  }
0x61: {  	v61 =	vshll.u32 v3, $0x2  }
0x62: {  	v3 =	vand.u32 $0x7, v3;
	v4 =	vand.u32 $0xFFFFFFE0, v61  }
0x63: {  	v3 =	vor.u32 v3, v4  }
0x64: {  	v4 =	vperm.xlane v3, v0;
	_ =	sdelay $0x1  }
0x65: {  	v4 =	vadd.s32 v1, v4;
	_ =	sdelay $0x1  }
0x66: {  	v3 =	vperm.xlane v3, v2;
	_ =	sdelay $0x1  }
0x67: {  	v3 =	vadd.s32 v1, v3  }
0x68: {  	[tilespmem:s0], [sflag:$0x2] =	stream.indirect_vreg.gather [hbm4b:s1+s3], $0x80, v4, vm0, $0xb8;
	[tilespmem:$0x18400] =	vst v63  }
0x69: {  	_ = 	snop  }
0x6a: {  	[tilespmem:s2], [sflag:$0x2] =	stream.indirect_vreg.gather [hbm4b:s5+s3], $0x80, v4, vm0, $0xb8;
	[tilespmem:$0x18400] =	vst v63  }
0x6b: {  	_ = 	snop  }
0x6c: {  	[tilespmem:s8], [sflag:$0x2] =	stream.indirect_vreg.gather [hbm4b:s1+s3], $0x80, v3, vm0, $0xb8;
	[tilespmem:$0x18400] =	vst v63  }
0x6d: {  	_ = 	snop  }
0x6e: {  	[tilespmem:s9], [sflag:$0x2] =	stream.indirect_vreg.gather [hbm4b:s5+s3], $0x80, v3, vm0, $0xb8;
	[tilespmem:$0x18400] =	vst v63  }
0x6f: {  	v3 =	vld [tilespmem:$0x60];
	_ =	sdelay $0x4  }
0x70: {  	v62 =	vshll.u32 v3, $0x2  }
0x71: {  	v3 =	vand.u32 $0x7, v3;
	v4 =	vand.u32 $0xFFFFFFE0, v62  }
0x72: {  	v3 =	vor.u32 v3, v4  }
0x73: {  	v4 =	vperm.xlane v3, v0;
	_ =	sdelay $0x1  }
0x74: {  	v4 =	vadd.s32 v1, v4;
	_ =	sdelay $0x1  }
0x75: {  	v3 =	vperm.xlane v3, v2;
	_ =	sdelay $0x1  }
0x76: {  	v3 =	vadd.s32 v1, v3  }
0x77: {  	[tilespmem:s11], [sflag:$0x2] =	stream.indirect_vreg.gather [hbm4b:s1+s3], $0x80, v4, vm0, $0xb8;
	[tilespmem:$0x18400] =	vst v63  }
0x78: {  	_ = 	snop  }
0x79: {  	[tilespmem:s12], [sflag:$0x2] =	stream.indirect_vreg.gather [hbm4b:s5+s3], $0x80, v4, vm0, $0xb8;
	[tilespmem:$0x18400] =	vst v63  }
0x7a: {  	_ = 	snop  }
0x7b: {  	[tilespmem:s13], [sflag:$0x2] =	stream.indirect_vreg.gather [hbm4b:s1+s3], $0x80, v3, vm0, $0xb8;
	[tilespmem:$0x18400] =	vst v63  }
0x7c: {  	_ = 	snop  }
0x7d: {  	[tilespmem:s14], [sflag:$0x2] =	stream.indirect_vreg.gather [hbm4b:s5+s3], $0x80, v3, vm0, $0xb8;
	[tilespmem:$0x18400] =	vst v63  }
0x7e: {  	v3 =	vld [tilespmem:$0x70];
	_ =	sdelay $0x4  }
0x7f: {  	v63 =	vshll.u32 v3, $0x2  }
0x80: {  	v3 =	vand.u32 $0x7, v3;
	v4 =	vand.u32 $0xFFFFFFE0, v63  }
0x81: {  	v3 =	vor.u32 v3, v4  }
0x82: {  	v4 =	vperm.xlane v3, v0;
	_ =	sdelay $0x1  }
0x83: {  	v4 =	vadd.s32 v1, v4;
	_ =	sdelay $0x1  }
0x84: {  	v3 =	vperm.xlane v3, v2;
	_ =	sdelay $0x1  }
0x85: {  	v3 =	vadd.s32 v1, v3  }
0x86: {  	[tilespmem:s15], [sflag:$0x2] =	stream.indirect_vreg.gather [hbm4b:s1+s3], $0x80, v4, vm0, $0xb8;
	[tilespmem:$0x18400] =	vst v63  }
0x87: {  	_ = 	snop  }
0x88: {  	[tilespmem:s16], [sflag:$0x2] =	stream.indirect_vreg.gather [hbm4b:s5+s3], $0x80, v4, vm0, $0xb8;
	[tilespmem:$0x18400] =	vst v63  }
0x89: {  	_ = 	snop  }
0x8a: {  	[tilespmem:s17], [sflag:$0x2] =	stream.indirect_vreg.gather [hbm4b:s1+s3], $0x80, v3, vm0, $0xb8;
	[tilespmem:$0x18400] =	vst v63  }
0x8b: {  	s23 =	simm.s32 $0x0  }
0x8c: {  	[tilespmem:s18], [sflag:$0x2] =	stream.indirect_vreg.gather [hbm4b:s5+s3], $0x80, v3, vm0, $0xb8;
	[tilespmem:$0x18400] =	vst v63  }
.LBB2_2:
0x8d: {  	s24 =	smul.u32 $0xAB, s23;
	_ =	sdelay $0x1  }
0x8e: {  	s28 =	sadd.s32 $0xFFFFFFFF, s23;
	s25 =	sadd.s32 $0x156, s24  }
0x8f: {  	p0 =	sgt.u32 s28, $0xC;
	s25 =	sshrl.u32 s25, $0x9  }
.Ltmp0:
0x90: {  	s25 =	sand.u32 $0x7F, s25;
	(pc) =	sbr.rel @p0 .LBB2_4-.Ltmp0, $4  }
0x91: {  	s25 =	smul.u32 $0x3, s25  }
0x92: {  	s26 =	sadd.s32 $0x2, s23  }
0x93: {  	s25 =	ssub.s32 s26, s25  }
0x94: {  	s25 =	sand.u32 $0xFF, s25  }
.Ltmp1:
0x95: {  	(pc) =	sbr.rel .LBB2_5-.Ltmp1, $4  }
0x96: {  	s28 =	sadd.s32 $0x4, s25  }
0x97: {  	_ =	swait.ge [sflag:s28], $0x8000  }
0x98: {  	[sflag:s28] =	ssyncset.done $0x0  }
0x99: {  	[sflag:s28] =	ssyncadd.s32 $0xFFFF8000  }
.LBB2_4:
0x9a: {  	p0 =	sgt.u32 s23, $0xD  }
.Ltmp2:
0x9b: {  	_ = 	snop;
	(pc) =	sbr.rel @p0 .LBB2_6-.Ltmp2, $1  }
0x9c: {  	_ =	sdelay $0x3  }
.LBB2_5:
0x9d: {  	s26 =	sshll.u32 s26, $0x6  }
0x9e: {  	s26 =	sand.u32 $0x3FFFFFC0, s26  }
0x9f: {  	v3 =	vld [tilespmem:s26+$0x0];
	_ =	sdelay $0x4  }
0xa0: {  	v4 =	vshll.u32 v3, $0x2  }
0xa1: {  	v3 =	vand.u32 $0x7, v3;
	v4 =	vand.u32 $0xFFFFFFE0, v4  }
0xa2: {  	v3 =	vor.u32 v3, v4  }
0xa3: {  	v4 =	vperm.xlane v3, v0;
	_ =	sdelay $0x1  }
0xa4: {  	v4 =	vadd.s32 v1, v4;
	_ =	sdelay $0x1  }
0xa5: {  	v3 =	vperm.xlane v3, v2  }
0xa6: {  	s28 =	sshll.u32 s25, $0xF  }
0xa7: {  	s25 =	sadd.s32 $0x1, s25;
	s29 =	sor.u32 $0x400, s28;
	v3 =	vadd.s32 v1, v3  }
0xa8: {  	[tilespmem:s29], [sflag:s25] =	stream.indirect_vreg.gather [hbm4b:s1+s3], $0x80, v4, vm0, $0xb8;
	[tilespmem:$0x18400] =	vst v63  }
0xa9: {  	s30 =	sor.u32 $0xC00, s28  }
0xaa: {  	[tilespmem:s30], [sflag:s25] =	stream.indirect_vreg.gather [hbm4b:s5+s3], $0x80, v4, vm0, $0xb8;
	[tilespmem:$0x18400] =	vst v63  }
0xab: {  	s31 =	sor.u32 $0x1400, s28  }
0xac: {  	[tilespmem:s31], [sflag:s25] =	stream.indirect_vreg.gather [hbm4b:s1+s3], $0x80, v3, vm0, $0xb8;
	[tilespmem:$0x18400] =	vst v63  }
0xad: {  	s30 =	sor.u32 $0x1C00, s28  }
0xae: {  	[tilespmem:s30], [sflag:s25] =	stream.indirect_vreg.gather [hbm4b:s5+s3], $0x80, v3, vm0, $0xb8;
	[tilespmem:$0x18400] =	vst v63  }
0xaf: {  	v3 =	vld [tilespmem:s26+$0x10];
	_ =	sdelay $0x4  }
0xb0: {  	v61 =	vshll.u32 v3, $0x2  }
0xb1: {  	v3 =	vand.u32 $0x7, v3;
	v4 =	vand.u32 $0xFFFFFFE0, v61  }
0xb2: {  	v3 =	vor.u32 v3, v4  }
0xb3: {  	v4 =	vperm.xlane v3, v0;
	_ =	sdelay $0x1  }
0xb4: {  	v4 =	vadd.s32 v1, v4;
	_ =	sdelay $0x1  }
0xb5: {  	v3 =	vperm.xlane v3, v2;
	_ =	sdelay $0x1  }
0xb6: {  	s31 =	sor.u32 $0x2400, s28;
	v3 =	vadd.s32 v1, v3  }
0xb7: {  	[tilespmem:s31], [sflag:s25] =	stream.indirect_vreg.gather [hbm4b:s1+s3], $0x80, v4, vm0, $0xb8;
	[tilespmem:$0x18400] =	vst v63  }
0xb8: {  	s30 =	sor.u32 $0x2C00, s28  }
0xb9: {  	[tilespmem:s30], [sflag:s25] =	stream.indirect_vreg.gather [hbm4b:s5+s3], $0x80, v4, vm0, $0xb8;
	[tilespmem:$0x18400] =	vst v63  }
0xba: {  	s31 =	sor.u32 $0x3400, s28  }
0xbb: {  	[tilespmem:s31], [sflag:s25] =	stream.indirect_vreg.gather [hbm4b:s1+s3], $0x80, v3, vm0, $0xb8;
	[tilespmem:$0x18400] =	vst v63  }
0xbc: {  	s30 =	sor.u32 $0x3C00, s28  }
0xbd: {  	[tilespmem:s30], [sflag:s25] =	stream.indirect_vreg.gather [hbm4b:s5+s3], $0x80, v3, vm0, $0xb8;
	[tilespmem:$0x18400] =	vst v63  }
0xbe: {  	v3 =	vld [tilespmem:s26+$0x20];
	_ =	sdelay $0x4  }
0xbf: {  	v62 =	vshll.u32 v3, $0x2  }
0xc0: {  	v3 =	vand.u32 $0x7, v3;
	v4 =	vand.u32 $0xFFFFFFE0, v62  }
0xc1: {  	v3 =	vor.u32 v3, v4  }
0xc2: {  	v4 =	vperm.xlane v3, v0;
	_ =	sdelay $0x1  }
0xc3: {  	v4 =	vadd.s32 v1, v4;
	_ =	sdelay $0x1  }
0xc4: {  	v3 =	vperm.xlane v3, v2;
	_ =	sdelay $0x1  }
0xc5: {  	s31 =	sor.u32 $0x4400, s28;
	v3 =	vadd.s32 v1, v3  }
0xc6: {  	[tilespmem:s31], [sflag:s25] =	stream.indirect_vreg.gather [hbm4b:s1+s3], $0x80, v4, vm0, $0xb8;
	[tilespmem:$0x18400] =	vst v63  }
0xc7: {  	s30 =	sor.u32 $0x4C00, s28  }
0xc8: {  	[tilespmem:s30], [sflag:s25] =	stream.indirect_vreg.gather [hbm4b:s5+s3], $0x80, v4, vm0, $0xb8;
	[tilespmem:$0x18400] =	vst v63  }
0xc9: {  	s31 =	sor.u32 $0x5400, s28  }
0xca: {  	[tilespmem:s31], [sflag:s25] =	stream.indirect_vreg.gather [hbm4b:s1+s3], $0x80, v3, vm0, $0xb8;
	[tilespmem:$0x18400] =	vst v63  }
0xcb: {  	s30 =	sor.u32 $0x5C00, s28  }
0xcc: {  	[tilespmem:s30], [sflag:s25] =	stream.indirect_vreg.gather [hbm4b:s5+s3], $0x80, v3, vm0, $0xb8;
	[tilespmem:$0x18400] =	vst v63  }
0xcd: {  	v3 =	vld [tilespmem:s26+$0x30];
	_ =	sdelay $0x4  }
0xce: {  	v63 =	vshll.u32 v3, $0x2  }
0xcf: {  	v3 =	vand.u32 $0x7, v3;
	v4 =	vand.u32 $0xFFFFFFE0, v63  }
0xd0: {  	v3 =	vor.u32 v3, v4  }
0xd1: {  	v4 =	vperm.xlane v3, v0;
	_ =	sdelay $0x1  }
0xd2: {  	v4 =	vadd.s32 v1, v4;
	_ =	sdelay $0x1  }
0xd3: {  	v3 =	vperm.xlane v3, v2;
	_ =	sdelay $0x1  }
0xd4: {  	s31 =	sor.u32 $0x6400, s28;
	v3 =	vadd.s32 v1, v3  }
0xd5: {  	[tilespmem:s31], [sflag:s25] =	stream.indirect_vreg.gather [hbm4b:s1+s3], $0x80, v4, vm0, $0xb8;
	[tilespmem:$0x18400] =	vst v63  }
0xd6: {  	s29 =	sor.u32 $0x6C00, s28  }
0xd7: {  	[tilespmem:s29], [sflag:s25] =	stream.indirect_vreg.gather [hbm4b:s5+s3], $0x80, v4, vm0, $0xb8;
	[tilespmem:$0x18400] =	vst v63  }
0xd8: {  	s30 =	sor.u32 $0x7400, s28  }
0xd9: {  	[tilespmem:s30], [sflag:s25] =	stream.indirect_vreg.gather [hbm4b:s1+s3], $0x80, v3, vm0, $0xb8;
	[tilespmem:$0x18400] =	vst v63  }
0xda: {  	s31 =	sor.u32 $0x7C00, s28  }
0xdb: {  	[tilespmem:s31], [sflag:s25] =	stream.indirect_vreg.gather [hbm4b:s5+s3], $0x80, v3, vm0, $0xb8;
	[tilespmem:$0x18400] =	vst v63  }
.LBB2_6:
0xdc: {  	s24 =	sshrl.u32 s24, $0x9  }
0xdd: {  	s24 =	sand.u32 $0x7F, s24  }
0xde: {  	s24 =	smul.u32 $0x3, s24;
	_ =	sdelay $0x1  }
0xdf: {  	s24 =	ssub.s32 s23, s24  }
0xe0: {  	s24 =	sand.u32 $0xFF, s24  }
0xe1: {  	s28 =	simm.s32 $0x0;
	s26 =	sadd.s32 $0x1, s24;
	s25 =	sshll.u32 s24, $0xF  }
0xe2: {  	s29 =	sand.u32 $0x7000, s28;
	_ =	swait.ge [sflag:s26], $0x8000;
	s25 =	sor.u32 $0x400, s25  }
0xe3: {  	s30 =	sand.u32 $0x380, s28;
	[sflag:s26] =	ssyncset.done $0x0;
	s29 =	sadd.s32 s29, s25  }
0xe4: {  	[sflag:s26] =	ssyncadd.s32 $0xFFFF8000;
	s26 =	sadd.s32 s30, s29  }
0xe5: {  	v3 =	vld [tilespmem:s26+$0x0]  }
0xe6: {  	v4 =	vld [tilespmem:s26+$0x10]  }
0xe7: {  	v5 =	vld [tilespmem:s26+$0x20]  }
0xe8: {  	v6 =	vld [tilespmem:s26+$0x30]  }
0xe9: {  	v7 =	vld [tilespmem:s26+$0x40]  }
0xea: {  	v8 =	vld [tilespmem:s26+$0x50];
	v3 =	vmul.f32 $2.262741660e+01, v3  }
0xeb: {  	v9 =	vld [tilespmem:s26+$0x60];
	v4 =	vmul.f32 $2.262741660e+01, v4  }
0xec: {  	[tilespmem:s26+$0x0] =	vst v3;
	v3 =	vmul.f32 $2.262741660e+01, v5;
	v5 =	vld [tilespmem:s26+$0x70]  }
0xed: {  	[tilespmem:s26+$0x10] =	vst v4;
	v4 =	vmul.f32 $2.262741660e+01, v6;
	v6 =	vld [tilespmem:s26+$0x400]  }
0xee: {  	[tilespmem:s26+$0x20] =	vst v3;
	v3 =	vmul.f32 $2.262741660e+01, v7;
	v7 =	vld [tilespmem:s26+$0x410]  }
0xef: {  	[tilespmem:s26+$0x30] =	vst v4;
	v4 =	vmul.f32 $2.262741660e+01, v8;
	v8 =	vld [tilespmem:s26+$0x420]  }
0xf0: {  	[tilespmem:s26+$0x40] =	vst v3;
	v3 =	vmul.f32 $2.262741660e+01, v9;
	v9 =	vld [tilespmem:s26+$0x430]  }
0xf1: {  	[tilespmem:s26+$0x50] =	vst v4;
	v4 =	vmul.f32 $2.262741660e+01, v5;
	v5 =	vld [tilespmem:s26+$0x440]  }
0xf2: {  	[tilespmem:s26+$0x60] =	vst v3;
	v3 =	vmul.f32 $2.262741660e+01, v6;
	v6 =	vld [tilespmem:s26+$0x450]  }
0xf3: {  	[tilespmem:s26+$0x70] =	vst v4;
	v4 =	vmul.f32 $2.262741660e+01, v7;
	v7 =	vld [tilespmem:s26+$0x460]  }
0xf4: {  	[tilespmem:s26+$0x400] =	vst v3;
	v3 =	vmul.f32 $2.262741660e+01, v8;
	v8 =	vld [tilespmem:s26+$0x470]  }
0xf5: {  	[tilespmem:s26+$0x410] =	vst v4;
	v4 =	vmul.f32 $2.262741660e+01, v9;
	v9 =	vld [tilespmem:s26+$0x800]  }
0xf6: {  	[tilespmem:s26+$0x420] =	vst v3;
	v3 =	vmul.f32 $2.262741660e+01, v5;
	v5 =	vld [tilespmem:s26+$0x810]  }
0xf7: {  	[tilespmem:s26+$0x430] =	vst v4;
	v4 =	vmul.f32 $2.262741660e+01, v6;
	v6 =	vld [tilespmem:s26+$0x820]  }
0xf8: {  	[tilespmem:s26+$0x440] =	vst v3;
	v3 =	vmul.f32 $2.262741660e+01, v7;
	v7 =	vld [tilespmem:s26+$0x830]  }
0xf9: {  	[tilespmem:s26+$0x450] =	vst v4;
	v4 =	vmul.f32 $2.262741660e+01, v8;
	v8 =	vld [tilespmem:s26+$0x840]  }
0xfa: {  	[tilespmem:s26+$0x460] =	vst v3;
	v3 =	vmul.f32 $2.262741660e+01, v9;
	v9 =	vld [tilespmem:s26+$0x850]  }
0xfb: {  	[tilespmem:s26+$0x470] =	vst v4;
	v4 =	vmul.f32 $2.262741660e+01, v5;
	v5 =	vld [tilespmem:s26+$0x860]  }
0xfc: {  	v10 =	vld [tilespmem:s26+$0x870];
	[tilespmem:s26+$0x800] =	vst v3;
	v3 =	vmul.f32 $2.262741660e+01, v6  }
0xfd: {  	[tilespmem:s26+$0x810] =	vst v4;
	v4 =	vmul.f32 $2.262741660e+01, v7;
	v7 =	vld [tilespmem:s26+$0xC00]  }
0xfe: {  	v6 =	vld [tilespmem:s26+$0xC10];
	[tilespmem:s26+$0x820] =	vst v3;
	v3 =	vmul.f32 $2.262741660e+01, v8  }
0xff: {  	[tilespmem:s26+$0x830] =	vst v4;
	v8 =	vmul.f32 $2.262741660e+01, v9;
	v4 =	vld [tilespmem:s26+$0xC20]  }
0x100: {  	[tilespmem:s26+$0x840] =	vst v3;
	v3 =	vld [tilespmem:s26+$0xC30];
	v9 =	vmul.f32 $2.262741660e+01, v5  }
0x101: {  	s29 =	simm.s32 $0x200;
	v5 =	vld [tilespmem:s26+$0xC40];
	[tilespmem:s26+$0x850] =	vst v8;
	v8 =	vmul.f32 $2.262741660e+01, v10  }
.LBB2_7:
0x102: {  	s30 =	sand.u32 $0x7000, s29;
	p0 =	sne.s32 s29, $0x7E00;
	[tilespmem:s26+$0x860] =	vst v9;
	v7 =	vmul.f32 $2.262741660e+01, v7;
	v9 =	vld [tilespmem:s26+$0xC50];
	s28 =	sadd.s32 $0x80, s28  }
0x103: {  	s31 =	sand.u32 $0x380, s28;
	s30 =	sadd.s32 s30, s25;
	[tilespmem:s26+$0x870] =	vst v8;
	v6 =	vmul.f32 $2.262741660e+01, v6;
	v8 =	vld [tilespmem:s26+$0xC60]  }
0x104: {  	s30 =	sadd.s32 s31, s30;
	[tilespmem:s26+$0xC00] =	vst v7;
	v4 =	vmul.f32 $2.262741660e+01, v4;
	v7 =	vld [tilespmem:s26+$0xC70]  }
0x105: {  	v10 =	vld [tilespmem:s30+$0x0];
	[tilespmem:s26+$0xC10] =	vst v6;
	v3 =	vmul.f32 $2.262741660e+01, v3  }
0x106: {  	v6 =	vld [tilespmem:s30+$0x10];
	[tilespmem:s26+$0xC20] =	vst v4;
	v4 =	vmul.f32 $2.262741660e+01, v5  }
0x107: {  	v5 =	vld [tilespmem:s30+$0x20];
	[tilespmem:s26+$0xC30] =	vst v3;
	v3 =	vmul.f32 $2.262741660e+01, v9  }
0x108: {  	v9 =	vld [tilespmem:s30+$0x30];
	[tilespmem:s26+$0xC40] =	vst v4;
	v4 =	vmul.f32 $2.262741660e+01, v8  }
0x109: {  	v8 =	vld [tilespmem:s30+$0x40];
	[tilespmem:s26+$0xC50] =	vst v3;
	v3 =	vmul.f32 $2.262741660e+01, v7  }
0x10a: {  	v7 =	vmul.f32 $2.262741660e+01, v10;
	v10 =	vld [tilespmem:s30+$0x50];
	[tilespmem:s26+$0xC60] =	vst v4  }
0x10b: {  	v4 =	vmul.f32 $2.262741660e+01, v6;
	v6 =	vld [tilespmem:s30+$0x60];
	[tilespmem:s26+$0xC70] =	vst v3;
	s26 =	smov.u32 s30  }
0x10c: {  	[tilespmem:s26+$0x0] =	vst v7;
	v3 =	vmul.f32 $2.262741660e+01, v5;
	v5 =	vld [tilespmem:s26+$0x70]  }
0x10d: {  	[tilespmem:s26+$0x10] =	vst v4;
	v4 =	vmul.f32 $2.262741660e+01, v9;
	v7 =	vld [tilespmem:s26+$0x400]  }
0x10e: {  	[tilespmem:s26+$0x20] =	vst v3;
	v3 =	vmul.f32 $2.262741660e+01, v8;
	v8 =	vld [tilespmem:s26+$0x410]  }
0x10f: {  	[tilespmem:s26+$0x30] =	vst v4;
	v4 =	vmul.f32 $2.262741660e+01, v10;
	v9 =	vld [tilespmem:s26+$0x420]  }
0x110: {  	[tilespmem:s26+$0x40] =	vst v3;
	v3 =	vmul.f32 $2.262741660e+01, v6;
	v6 =	vld [tilespmem:s26+$0x430]  }
0x111: {  	[tilespmem:s26+$0x50] =	vst v4;
	v4 =	vmul.f32 $2.262741660e+01, v5;
	v5 =	vld [tilespmem:s26+$0x440]  }
0x112: {  	[tilespmem:s26+$0x60] =	vst v3;
	v3 =	vmul.f32 $2.262741660e+01, v7;
	v7 =	vld [tilespmem:s26+$0x450]  }
0x113: {  	[tilespmem:s26+$0x70] =	vst v4;
	v4 =	vmul.f32 $2.262741660e+01, v8;
	v8 =	vld [tilespmem:s26+$0x460]  }
0x114: {  	[tilespmem:s26+$0x400] =	vst v3;
	v3 =	vmul.f32 $2.262741660e+01, v9;
	v9 =	vld [tilespmem:s26+$0x470]  }
0x115: {  	[tilespmem:s26+$0x410] =	vst v4;
	v4 =	vmul.f32 $2.262741660e+01, v6;
	v6 =	vld [tilespmem:s26+$0x800]  }
0x116: {  	[tilespmem:s26+$0x420] =	vst v3;
	v3 =	vmul.f32 $2.262741660e+01, v5;
	v5 =	vld [tilespmem:s26+$0x810]  }
0x117: {  	[tilespmem:s26+$0x430] =	vst v4;
	v4 =	vmul.f32 $2.262741660e+01, v7;
	v7 =	vld [tilespmem:s26+$0x820]  }
0x118: {  	[tilespmem:s26+$0x440] =	vst v3;
	v3 =	vmul.f32 $2.262741660e+01, v8;
	v8 =	vld [tilespmem:s26+$0x830]  }
0x119: {  	[tilespmem:s26+$0x450] =	vst v4;
	v4 =	vmul.f32 $2.262741660e+01, v9;
	v9 =	vld [tilespmem:s26+$0x840]  }
0x11a: {  	[tilespmem:s26+$0x460] =	vst v3;
	v3 =	vmul.f32 $2.262741660e+01, v6;
	v10 =	vld [tilespmem:s26+$0x850]  }
0x11b: {  	[tilespmem:s26+$0x470] =	vst v4;
	v4 =	vmul.f32 $2.262741660e+01, v5;
	v5 =	vld [tilespmem:s26+$0x860]  }
0x11c: {  	[tilespmem:s26+$0x800] =	vst v3;
	v3 =	vmul.f32 $2.262741660e+01, v7;
	v11 =	vld [tilespmem:s26+$0x870]  }
.Ltmp3:
0x11d: {  	[tilespmem:s26+$0x810] =	vst v4;
	v4 =	vmul.f32 $2.262741660e+01, v8;
	v7 =	vld [tilespmem:s26+$0xC00];
	(pc) =	sbr.rel @p0 .LBB2_7-.Ltmp3, $4  }
0x11e: {  	[tilespmem:s26+$0x820] =	vst v3;
	v3 =	vmul.f32 $2.262741660e+01, v9;
	v6 =	vld [tilespmem:s26+$0xC10]  }
0x11f: {  	[tilespmem:s26+$0x830] =	vst v4;
	v8 =	vmul.f32 $2.262741660e+01, v10;
	v4 =	vld [tilespmem:s26+$0xC20]  }
0x120: {  	[tilespmem:s26+$0x840] =	vst v3;
	v9 =	vmul.f32 $2.262741660e+01, v5;
	v3 =	vld [tilespmem:s26+$0xC30]  }
0x121: {  	s29 =	sadd.s32 $0x200, s29;
	[tilespmem:s26+$0x850] =	vst v8;
	v8 =	vmul.f32 $2.262741660e+01, v11;
	v5 =	vld [tilespmem:s26+$0xC40]  }
0x122: {  	[tilespmem:s26+$0x860] =	vst v9;
	v7 =	vmul.f32 $2.262741660e+01, v7;
	v59 =	vld [tilespmem:s26+$0xC50]  }
0x123: {  	v60 =	vld [tilespmem:s26+$0xC60];
	[tilespmem:s26+$0x870] =	vst v8;
	v6 =	vmul.f32 $2.262741660e+01, v6  }
0x124: {  	v61 =	vld [tilespmem:s26+$0xC70];
	[tilespmem:s26+$0xC00] =	vst v7;
	v4 =	vmul.f32 $2.262741660e+01, v4  }
0x125: {  	[tilespmem:s26+$0xC10] =	vst v6;
	v3 =	vmul.f32 $2.262741660e+01, v3  }
0x126: {  	s28 =	sshll.u32 s23, $0xC;
	s23 =	sadd.s32 $0x1, s23;
	[tilespmem:s26+$0xC20] =	vst v4;
	v62 =	vmul.f32 $2.262741660e+01, v5  }
0x127: {  	p0 =	sne.s32 s23, $0x10;
	[tilespmem:s26+$0xC30] =	vst v3;
	v3 =	vmul.f32 $2.262741660e+01, v59  }
.Ltmp4:
0x128: {  	v63 =	vmul.f32 $2.262741660e+01, v60;
	[tilespmem:s26+$0xC40] =	vst v62;
	(pc) =	sbr.rel @p0 .LBB2_2-.Ltmp4, $4  }
0x129: {  	[tilespmem:s26+$0xC50] =	vst v3;
	v3 =	vmul.f32 $2.262741660e+01, v61  }
0x12a: {  	[tilespmem:s26+$0xC60] =	vst v63  }
0x12b: {  	s24 =	sadd.s32 $0x4, s24;
	s31 =	sadd.s32 s28, s6;
	[tilespmem:s26+$0xC70] =	vst v3  }
0x12c: {  	[hbm4b:s31+s3] =	stream.linear.scatter [tilespmem:s25], [sflag:s24], $0x8000, $0x38;
	[tilespmem:$0x18400] =	vst v63  }
0x12d: {  	_ =	swait.ge [sflag:s19], $0x8000  }
0x12e: {  	[sflag:s19] =	ssyncset.done $0x0  }
0x12f: {  	s22 =	sadd.s32 $0x1, s22;
	[sflag:s19] =	ssyncadd.s32 $0xFFFF8000  }
0x130: {  	p0 =	sne.s32 s22, s7;
	_ =	swait.ge [sflag:s20], $0x8000  }
.Ltmp5:
0x131: {  	[sflag:s20] =	ssyncset.done $0x0;
	(pc) =	sbr.rel @p0 .LBB2_1-.Ltmp5, $4  }
0x132: {  	[sflag:s20] =	ssyncadd.s32 $0xFFFF8000  }
0x133: {  	_ =	swait.ge [sflag:s21], $0x8000  }
0x134: {  	[sflag:s21] =	ssyncset.done $0x0  }
0x135: {  	[sflag:s21] =	ssyncadd.s32 $0xFFFF8000  }
0x136: {  	_ =	sfence.sel $0x180000  }
0x137: {  	[bflag:$0x0] =	sbarrier.arrive $0xFFFF  }
0x138: {  	_ =	strace $0x90000047  }
0x139: {  	s0 =	stileid.u32;
	[bflag:$0x2] =	sbarrier.arrive $0xFFFF  }
0x13a: {  	p0 =	sne.s32 s0, $0x0;
	s0 =	rddreg [dreg:$0x3]  }
0x13b: {  	s0 =	sadd.s32 @!p0 $0x100000, s0  }
0x13c: {  	[sflag:s0] =	ssyncadd.tile.s32 @!p0 $0x1;
	_ =	shalt  }
.Lfunc_end2:
_tile_overlayer_lowered:
.L_overlay_start_2:
0x13d: {  	(tag) =	ssettag $0x2  }
0x13e: {  	s0 =	rddreg [dreg:$0x0];
	s2 =	stileid.u32  }
0x13f: {  	s1 =	rddreg [dreg:$0x1];
	p0 =	sne.s32 s2, $0x0  }
0x140: {  	s3 =	rddreg [dreg:$0x2];
	[bflag:$0x3] =	sbarrier.arrive $0xFFFF;
	s2 =	simm.s32 @!p0 $0x1C07  }
0x141: {  	[timem:s3], [sflag:s2] =	dma.local @!p0 [hbm:s0], s1  }
0x142: {  	s0 =	simm.s32 @!p0 $0x7  }
0x143: {  	_ =	swait.ge @!p0 [sflag:s0], s1  }
0x144: {  	s1 =	ssub.s32 @!p0 $0x0, s1;
	[sflag:s0] =	ssyncset.done @!p0 $0x0  }
0x145: {  	[sflag:s0] =	ssyncadd.s32 @!p0 s1  }
0x146: {  	[bflag:$0x3] =	sbarrier.arrive $0xFFFF  }
0x147: {  	_ =	shalt  }

</sc_bundles>
